<compile_context>
chip_gen: v7x
topology: tpu7x:2x2x1
jax: 0.10.2.dev20260603
libtpu: 0.0.44.dev20260713+nightly
codegen_flags: <defaults>
</compile_context>

<pallas_src>
import functools

import jax
import jax.numpy as jnp
from jax import lax
from jax.experimental import pallas as pl
from jax.experimental.pallas import tpu as pltpu
from jax.experimental.pallas import tpu_sc as plsc

N = 8192
M = 8192
BIG = 3.0e38
FAR = 1.0e18

NTC = 5120
NSC = N - NTC

NW = 32
BPW = NSC // NW
L = 16
RV = M // L
UNROLL = 8
GB = 4

BN = 512
BM = 2048



_GATHER_DNUMS = lax.GatherDimensionNumbers(
    offset_dims=(), collapsed_slice_dims=(0,), start_index_map=(0,))


def _shuffle(v, idx):
    return lax.gather(v, idx[:, None], _GATHER_DNUMS, slice_sizes=(1,),
                      mode=lax.GatherScatterMode.PROMISE_IN_BOUNDS)


def _lane_min_all(v):
    lane_iota = lax.iota(jnp.int32, L)
    for s in (8, 4, 2, 1):
        v = jnp.minimum(v, _shuffle(v, lane_iota ^ s))
    return v


def _sc_main(bx_hbm, by_hbm, rx_hbm, ry_hbm,
             rowmin_hbm, maskf_hbm, colpart_hbm,
             rx_v, ry_v, rn2_v, colacc_v, bx_v, by_v, rmin_v, mask_v):
    wid = lax.axis_index("c") * 16 + lax.axis_index("s")
    base = wid * BPW

    pltpu.sync_copy(rx_hbm, rx_v)
    pltpu.sync_copy(ry_hbm, ry_v)
    pltpu.sync_copy(bx_hbm.at[pl.ds(base, BPW)], bx_v)
    pltpu.sync_copy(by_hbm.at[pl.ds(base, BPW)], by_v)

    def mask_body(t, carry):
        sl = pl.ds(t * L, L)
        bxv = bx_v[sl]
        byv = by_v[sl]
        ok = ((bxv >= -2000.0) & (bxv <= 2000.0) &
              (byv >= -2000.0) & (byv <= 2000.0))
        mask_v[sl] = jnp.where(ok, jnp.float32(1.0), jnp.float32(0.0))
        bx_v[sl] = jnp.where(ok, bxv, jnp.float32(FAR))
        by_v[sl] = jnp.where(ok, byv, jnp.float32(FAR))
        return carry

    lax.fori_loop(0, BPW // L, mask_body, 0)

    def prep_body(j, carry):
        sl = pl.ds(j * L, L)
        rxv = rx_v[sl]
        ryv = ry_v[sl]
        rn2_v[sl] = rxv * rxv + ryv * ryv
        colacc_v[sl] = jnp.full((L,), BIG, jnp.float32)
        return carry

    lax.fori_loop(0, RV, prep_body, 0)

    lane_iota = lax.iota(jnp.int32, L)

    def super_body(t, carry):
        i0 = t * L
        bxv16 = bx_v[pl.ds(i0, L)]
        byv16 = by_v[pl.ds(i0, L)]
        rminvec = jnp.full((L,), BIG, jnp.float32)
        for sub in range(L // GB):
            nbx = []
            nby = []
            bn2 = []
            for k in range(GB):
                lane = sub * GB + k
                bxb = jnp.full((L,), bxv16[lane], jnp.float32)
                byb = jnp.full((L,), byv16[lane], jnp.float32)
                nbx.append(bxb * (-2.0))
                nby.append(byb * (-2.0))
                bn2.append(bxb * bxb + byb * byb)

            def inner(j, accs):
                accs = list(accs)
                sl = pl.ds(j * L, L)
                rxv = rx_v[sl]
                ryv = ry_v[sl]
                rn2v = rn2_v[sl]
                d2s = []
                for k in range(GB):
                    t1 = nbx[k] * rxv + rn2v
                    t2 = nby[k] * ryv + t1
                    accs[k] = jnp.minimum(accs[k], t2)
                    d2s.append(t2 + bn2[k])
                cm = jnp.minimum(jnp.minimum(d2s[0], d2s[1]),
                                 jnp.minimum(d2s[2], d2s[3]))
                colacc_v[sl] = jnp.minimum(colacc_v[sl], cm)
                return tuple(accs)

            accs = plsc.parallel_loop(
                0, RV, 1, unroll=UNROLL,
                carry=tuple(jnp.full((L,), BIG, jnp.float32)
                            for _ in range(GB)))(inner)
            for k in range(GB):
                lane = sub * GB + k
                red = _lane_min_all(accs[k]) + bn2[k]
                rminvec = jnp.where(lane_iota == lane, red, rminvec)
        rmin_v[pl.ds(i0, L)] = rminvec
        return carry

    lax.fori_loop(0, BPW // L, super_body, 0)

    pltpu.sync_copy(rmin_v, rowmin_hbm.at[pl.ds(base, BPW)])
    pltpu.sync_copy(mask_v, maskf_hbm.at[pl.ds(base, BPW)])
    pltpu.sync_copy(colacc_v, colpart_hbm.at[wid])


def _make_sc_call():
    return functools.partial(
        pl.kernel,
        out_type=(jax.ShapeDtypeStruct((NSC,), jnp.float32),
                  jax.ShapeDtypeStruct((NSC,), jnp.float32),
                  jax.ShapeDtypeStruct((NW, M), jnp.float32)),
        mesh=plsc.VectorSubcoreMesh(core_axis_name="c", subcore_axis_name="s",
                                    num_cores=2, num_subcores=16),
        scratch_types=[
            pltpu.VMEM((M,), jnp.float32),
            pltpu.VMEM((M,), jnp.float32),
            pltpu.VMEM((M,), jnp.float32),
            pltpu.VMEM((M,), jnp.float32),
            pltpu.VMEM((BPW,), jnp.float32),
            pltpu.VMEM((BPW,), jnp.float32),
            pltpu.VMEM((BPW,), jnp.float32),
            pltpu.VMEM((BPW,), jnp.float32),
        ],
    )(_sc_main)



def _tc_body(bx_ref, by_ref, rx_ref, ry_ref,
             rowmin_ref, maskf_ref, colpart_ref, rowacc, colacc,
             bxm_s, bym_s):
    i = pl.program_id(0)
    j = pl.program_id(1)
    ni = pl.num_programs(0)
    nj = pl.num_programs(1)

    rx = rx_ref[...]
    ry = ry_ref[...]

    @pl.when(j == 0)
    def _():
        bx = bx_ref[...]
        by = by_ref[...]
        mask = ((bx >= -2000.0) & (bx <= 2000.0) &
                (by >= -2000.0) & (by <= 2000.0))
        bxm_s[...] = jnp.where(mask, bx, FAR)
        bym_s[...] = jnp.where(mask, by, FAR)
        maskf_ref[...] = mask.astype(jnp.float32)

    bxm = bxm_s[...]
    bym = bym_s[...]

    dx = bxm - rx
    dy = bym - ry
    d2 = dx * dx + dy * dy

    rmin = jnp.min(d2, axis=1, keepdims=True)

    @pl.when(j == 0)
    def _():
        rowacc[...] = rmin

    @pl.when(j != 0)
    def _():
        rowacc[...] = jnp.minimum(rowacc[...], rmin)

    cmin = jnp.min(d2, axis=0, keepdims=True)

    @pl.when(i == 0)
    def _():
        colacc[0:1, pl.ds(j * BM, BM)] = cmin

    @pl.when(i != 0)
    def _():
        colacc[0:1, pl.ds(j * BM, BM)] = jnp.minimum(
            colacc[0:1, pl.ds(j * BM, BM)], cmin)

    @pl.when(j == nj - 1)
    def _():
        rowmin_ref[...] = rowacc[...]

    @pl.when((i == ni - 1) & (j == nj - 1))
    def _():
        colpart_ref[...] = colacc[...]


def _tc_call(bx, by, rx, ry):
    grid = (NTC // BN, M // BM)
    return pl.pallas_call(
        _tc_body,
        grid=grid,
        in_specs=[
            pl.BlockSpec((BN, 1), lambda i, j: (i, 0)),
            pl.BlockSpec((BN, 1), lambda i, j: (i, 0)),
            pl.BlockSpec((1, BM), lambda i, j: (0, j)),
            pl.BlockSpec((1, BM), lambda i, j: (0, j)),
        ],
        out_specs=[
            pl.BlockSpec((BN, 1), lambda i, j: (i, 0)),
            pl.BlockSpec((BN, 1), lambda i, j: (i, 0)),
            pl.BlockSpec((1, M), lambda i, j: (0, 0)),
        ],
        out_shape=[
            jax.ShapeDtypeStruct((NTC, 1), jnp.float32),
            jax.ShapeDtypeStruct((NTC, 1), jnp.float32),
            jax.ShapeDtypeStruct((1, M), jnp.float32),
        ],
        scratch_shapes=[
            pltpu.VMEM((BN, 1), jnp.float32),
            pltpu.VMEM((1, M), jnp.float32),
            pltpu.VMEM((BN, 1), jnp.float32),
            pltpu.VMEM((BN, 1), jnp.float32),
        ],
    )(bx, by, rx, ry)



def _finalize_body(rm2sc_ref, mksc_ref, rm2tc_ref, mktc_ref,
                   colsc_ref, coltc_ref, out_ref):
    colmin2 = jnp.minimum(jnp.min(colsc_ref[...], axis=0, keepdims=True),
                          coltc_ref[...])
    sum2 = jnp.sum(jnp.sqrt(jnp.maximum(colmin2, 0.0)))
    mksc = mksc_ref[...]
    rdsc = jnp.sqrt(jnp.maximum(rm2sc_ref[...], 0.0)) * mksc
    mktc = mktc_ref[...]
    rdtc = jnp.sqrt(jnp.maximum(rm2tc_ref[...], 0.0)) * mktc
    sum1 = jnp.sum(rdsc) + jnp.sum(rdtc)
    cnt = jnp.sum(mksc) + jnp.sum(mktc)
    mean1 = sum1 / jnp.maximum(cnt, 1.0)
    mean2 = sum2 / jnp.float32(M)
    out_ref[0, 0] = (mean1 + mean2) * 0.5


@jax.jit
def _centerline_loss(bez, ref):
    bx = bez[:, 0]
    by = bez[:, 1]
    rx = ref[:, 1]
    ry = ref[:, 0]

    rowmin2_sc, maskf_sc, colpart_sc = _make_sc_call()(
        bx[NTC:], by[NTC:], rx, ry)

    rowmin2_tc, maskf_tc, colpart_tc = _tc_call(
        bx[:NTC].reshape(NTC, 1), by[:NTC].reshape(NTC, 1),
        rx.reshape(1, M), ry.reshape(1, M))

    out = pl.pallas_call(
        _finalize_body,
        out_specs=pl.BlockSpec(memory_space=pltpu.SMEM),
        out_shape=jax.ShapeDtypeStruct((1, 1), jnp.float32),
    )(rowmin2_sc.reshape(NSC // 128, 128), maskf_sc.reshape(NSC // 128, 128),
      rowmin2_tc.reshape(NTC // 128, 128), maskf_tc.reshape(NTC // 128, 128),
      colpart_sc, colpart_tc)
    return out[0, 0]


def kernel(bezier_proj_centerline_img, ref_catheter_centerline):
    return _centerline_loss(bezier_proj_centerline_img,
                            ref_catheter_centerline)

# --- scband reference (transcript-rebuilt; emitter-appended) ---
"""Pipeline reference for scband-centerline-loss-2714419331840 (READ-ONLY COPY).

The authoritative reference and input builder live on the scoring server;
editing this copy changes nothing except your own understanding.
"""

import jax, jax.numpy as jnp
import numpy as np

N = 8192
M = 8192

def setup_inputs(seed: int = 0) -> dict:
    key = jax.random.key(seed)
    k1, k2 = jax.random.split(key)
    bezier_proj_centerline_img = jax.random.normal(k1, (N, 2), dtype=jnp.float32)
    ref_catheter_centerline = jax.random.normal(k2, (M, 2), dtype=jnp.float32)
    return {"bezier_proj_centerline_img": bezier_proj_centerline_img,
            "ref_catheter_centerline": ref_catheter_centerline}

def reference(bezier_proj_centerline_img, ref_catheter_centerline):
    # ref_catheter_centerline.flip(1): reverse coordinate order (x,y)->(y,x)
    ref = jnp.flip(ref_catheter_centerline, axis=1)
    # bezier_proj_centerline_img.flip(0): reverse point order
    bez = jnp.flip(bezier_proj_centerline_img, axis=0)
    # in-bounds mask on projected points (torch does boolean-mask filtering;
    # implemented here shape-stably via masking, which is mathematically equivalent)
    mask = ((bez[:, 0] >= -2000.0) & (bez[:, 0] <= 2000.0) &
            (bez[:, 1] >= -2000.0) & (bez[:, 1] <= 2000.0))
    # pairwise L2 distances [N, M]
    distances = jnp.linalg.norm(bez[:, None, :] - ref[None, :, :], axis=2)
    # min over ref for each (kept) bezier point
    min_distances_1 = jnp.min(distances, axis=1)
    n_kept = jnp.maximum(jnp.sum(mask.astype(jnp.float32)), 1.0)
    mean1 = jnp.sum(jnp.where(mask, min_distances_1, 0.0)) / n_kept
    # min over kept bezier points for each ref point
    masked_d = jnp.where(mask[:, None], distances, jnp.inf)
    min_distances_2 = jnp.min(masked_d, axis=0)
    mean2 = jnp.mean(min_distances_2)
    centerline_loss = (mean1 + mean2) / 2.0
    return centerline_loss

if __name__ == "__main__":
    import jax
    _d = setup_inputs()
    print(jax.jit(kernel)(*tuple(_d.values())))

</pallas_src>

<mosaic_0001>
#map = affine_map<(d0, d1) -> (0)>
#map1 = affine_map<(d0, d1) -> (0, 0)>
module attributes {stable_mosaic.version = 14 : i64} {
  func.func @_sc_main(%arg0: i32, %arg1: i32, %arg2: memref<3072xf32, #tpu.memory_space<hbm>>, %arg3: memref<3072xf32, #tpu.memory_space<hbm>>, %arg4: memref<8192xf32, #tpu.memory_space<hbm>>, %arg5: memref<8192xf32, #tpu.memory_space<hbm>>, %arg6: memref<3072xf32, #tpu.memory_space<hbm>>, %arg7: memref<3072xf32, #tpu.memory_space<hbm>>, %arg8: memref<32x8192xf32, #tpu.memory_space<hbm>>, %arg9: memref<8192xf32, #tpu.memory_space<vmem>>, %arg10: memref<8192xf32, #tpu.memory_space<vmem>>, %arg11: memref<8192xf32, #tpu.memory_space<vmem>>, %arg12: memref<8192xf32, #tpu.memory_space<vmem>>, %arg13: memref<96xf32, #tpu.memory_space<vmem>>, %arg14: memref<96xf32, #tpu.memory_space<vmem>>, %arg15: memref<96xf32, #tpu.memory_space<vmem>>, %arg16: memref<96xf32, #tpu.memory_space<vmem>>) attributes {dimension_semantics = [#tpu.dimension_semantics<core_parallel>, #tpu.dimension_semantics<subcore_parallel>], iteration_bounds = array<i64: 2, 16>, scalar_prefetch = 0 : i64, scratch_operands = 8 : i64, tpu.core_type = #tpu.core_type<sc_vector_subcore>, window_params = [{transform_indices = #map}, {transform_indices = #map}, {transform_indices = #map}, {transform_indices = #map}, {transform_indices = #map}, {transform_indices = #map}, {transform_indices = #map1}]} {
    %mul3A = arith.constant 16 : i32
    %mul3A_0 = arith.muli %arg0, %mul3A : i32
    %add3A = arith.addi %mul3A_0, %arg1 : i32
    %mul3A_1 = arith.constant 96 : i32
    %mul3A_2 = arith.muli %add3A, %mul3A_1 : i32
    "tpu.region"() ({
      %run_scoped3A = tpu.sem_alloc : memref<!tpu.dma_semaphore, #tpu.memory_space<semaphore_mem>>
      tpu.enqueue_dma source(%arg4 : memref<8192xf32, #tpu.memory_space<hbm>>) target(%arg9 : memref<8192xf32, #tpu.memory_space<vmem>>) target_semaphore(%run_scoped3A : memref<!tpu.dma_semaphore, #tpu.memory_space<semaphore_mem>>)
      tpu.wait_dma2 semaphore(%run_scoped3A : memref<!tpu.dma_semaphore, #tpu.memory_space<semaphore_mem>>) src(%arg4 : memref<8192xf32, #tpu.memory_space<hbm>>) dst(%arg9 : memref<8192xf32, #tpu.memory_space<vmem>>)
      tpu.yield
    }) : () -> ()
    "tpu.region"() ({
      %run_scoped3A = tpu.sem_alloc : memref<!tpu.dma_semaphore, #tpu.memory_space<semaphore_mem>>
      tpu.enqueue_dma source(%arg5 : memref<8192xf32, #tpu.memory_space<hbm>>) target(%arg10 : memref<8192xf32, #tpu.memory_space<vmem>>) target_semaphore(%run_scoped3A : memref<!tpu.dma_semaphore, #tpu.memory_space<semaphore_mem>>)
      tpu.wait_dma2 semaphore(%run_scoped3A : memref<!tpu.dma_semaphore, #tpu.memory_space<semaphore_mem>>) src(%arg5 : memref<8192xf32, #tpu.memory_space<hbm>>) dst(%arg10 : memref<8192xf32, #tpu.memory_space<vmem>>)
      tpu.yield
    }) : () -> ()
    "tpu.region"() ({
      %run_scoped3A = tpu.sem_alloc : memref<!tpu.dma_semaphore, #tpu.memory_space<semaphore_mem>>
      %dma_start3A = tpu.memref_slice %arg2[%mul3A_2] : memref<3072xf32, #tpu.memory_space<hbm>> -> memref<96xf32, #tpu.memory_space<hbm>>
      %dma_start3A_20 = tpu.memref_slice %arg2[%mul3A_2] : memref<3072xf32, #tpu.memory_space<hbm>> -> memref<96xf32, #tpu.memory_space<hbm>>
      tpu.enqueue_dma source(%dma_start3A_20 : memref<96xf32, #tpu.memory_space<hbm>>) target(%arg13 : memref<96xf32, #tpu.memory_space<vmem>>) target_semaphore(%run_scoped3A : memref<!tpu.dma_semaphore, #tpu.memory_space<semaphore_mem>>)
      %dma_wait3A = tpu.memref_slice %arg2[%mul3A_2] : memref<3072xf32, #tpu.memory_space<hbm>> -> memref<96xf32, #tpu.memory_space<hbm>>
      %dma_wait3A_21 = tpu.memref_slice %arg2[%mul3A_2] : memref<3072xf32, #tpu.memory_space<hbm>> -> memref<96xf32, #tpu.memory_space<hbm>>
      tpu.wait_dma2 semaphore(%run_scoped3A : memref<!tpu.dma_semaphore, #tpu.memory_space<semaphore_mem>>) src(%dma_wait3A_21 : memref<96xf32, #tpu.memory_space<hbm>>) dst(%arg13 : memref<96xf32, #tpu.memory_space<vmem>>)
      tpu.yield
    }) : () -> ()
    "tpu.region"() ({
      %run_scoped3A = tpu.sem_alloc : memref<!tpu.dma_semaphore, #tpu.memory_space<semaphore_mem>>
      %dma_start3A = tpu.memref_slice %arg3[%mul3A_2] : memref<3072xf32, #tpu.memory_space<hbm>> -> memref<96xf32, #tpu.memory_space<hbm>>
      %dma_start3A_20 = tpu.memref_slice %arg3[%mul3A_2] : memref<3072xf32, #tpu.memory_space<hbm>> -> memref<96xf32, #tpu.memory_space<hbm>>
      tpu.enqueue_dma source(%dma_start3A_20 : memref<96xf32, #tpu.memory_space<hbm>>) target(%arg14 : memref<96xf32, #tpu.memory_space<vmem>>) target_semaphore(%run_scoped3A : memref<!tpu.dma_semaphore, #tpu.memory_space<semaphore_mem>>)
      %dma_wait3A = tpu.memref_slice %arg3[%mul3A_2] : memref<3072xf32, #tpu.memory_space<hbm>> -> memref<96xf32, #tpu.memory_space<hbm>>
      %dma_wait3A_21 = tpu.memref_slice %arg3[%mul3A_2] : memref<3072xf32, #tpu.memory_space<hbm>> -> memref<96xf32, #tpu.memory_space<hbm>>
      tpu.wait_dma2 semaphore(%run_scoped3A : memref<!tpu.dma_semaphore, #tpu.memory_space<semaphore_mem>>) src(%dma_wait3A_21 : memref<96xf32, #tpu.memory_space<hbm>>) dst(%arg14 : memref<96xf32, #tpu.memory_space<vmem>>)
      tpu.yield
    }) : () -> ()
    %scan3A = arith.constant 0 : i32
    %scan3A_3 = arith.constant 0 : i32
    %scan3A_4 = arith.constant 6 : i32
    %scan3A_5 = arith.addi %scan3A_3, %scan3A_4 : i32
    %scan3A_6 = arith.constant 1 : i32
    scf.for %scan3A_20 = %scan3A_3 to %scan3A_5 step %scan3A_6  : i32 {
      %mul3A_21 = arith.constant 16 : i32
      %mul3A_22 = arith.muli %scan3A_20, %mul3A_21 : i32
      %get3A = arith.index_cast %mul3A_22 : i32 to index
      %get3A_23 = tpu.vector_load %arg13[%get3A] {strides = array<i32>} : memref<96xf32, #tpu.memory_space<vmem>>, vector<16xf32>,
      %get3A_24 = vector.shape_cast %get3A_23 : vector<16xf32> to vector<16xf32>
      %get3A_25 = arith.index_cast %mul3A_22 : i32 to index
      %get3A_26 = tpu.vector_load %arg14[%get3A_25] {strides = array<i32>} : memref<96xf32, #tpu.memory_space<vmem>>, vector<16xf32>,
      %get3A_27 = vector.shape_cast %get3A_26 : vector<16xf32> to vector<16xf32>
      %ge3A = arith.constant -2.000000e+03 : f32
      %ge3A_28 = vector.broadcast %ge3A : f32 to vector<16xf32>
      %ge3A_29 = arith.cmpf oge, %get3A_24, %ge3A_28 : vector<16xf32>
      %le3A = arith.constant 2.000000e+03 : f32
      %le3A_30 = vector.broadcast %le3A : f32 to vector<16xf32>
      %le3A_31 = arith.cmpf ole, %get3A_24, %le3A_30 : vector<16xf32>
      %and3A = arith.andi %ge3A_29, %le3A_31 : vector<16xi1>
      %ge3A_32 = arith.constant -2.000000e+03 : f32
      %ge3A_33 = vector.broadcast %ge3A_32 : f32 to vector<16xf32>
      %ge3A_34 = arith.cmpf oge, %get3A_27, %ge3A_33 : vector<16xf32>
      %and3A_35 = arith.andi %and3A, %ge3A_34 : vector<16xi1>
      %le3A_36 = arith.constant 2.000000e+03 : f32
      %le3A_37 = vector.broadcast %le3A_36 : f32 to vector<16xf32>
      %le3A_38 = arith.cmpf ole, %get3A_27, %le3A_37 : vector<16xf32>
      %and3A_39 = arith.andi %and3A_35, %le3A_38 : vector<16xi1>
      %jit3A = arith.constant 1.000000e+00 : f32
      %jit3A_40 = arith.constant 0.000000e+00 : f32
      %broadcast_in_dim3A = vector.broadcast %jit3A : f32 to vector<16xf32>
      %broadcast_in_dim3A_41 = vector.broadcast %jit3A_40 : f32 to vector<16xf32>
      %select_n3A = arith.select %and3A_39, %broadcast_in_dim3A, %broadcast_in_dim3A_41 : vector<16xi1>, vector<16xf32>
      %swap3A = arith.index_cast %mul3A_22 : i32 to index
      %swap3A_42 = tpu.vector_load %arg16[%swap3A] {strides = array<i32>} : memref<96xf32, #tpu.memory_space<vmem>>, vector<16xf32>,
      %swap3A_43 = vector.shape_cast %swap3A_42 : vector<16xf32> to vector<16xf32>
      %swap3A_44 = vector.shape_cast %select_n3A : vector<16xf32> to vector<16xf32>
      tpu.vector_store %arg16[%swap3A], %swap3A_44 {strides = array<i32>} : memref<96xf32, #tpu.memory_space<vmem>>, vector<16xf32>,
      %jit3A_45 = arith.constant 9.99999984E+17 : f32
      %broadcast_in_dim3A_46 = vector.broadcast %jit3A_45 : f32 to vector<16xf32>
      %select_n3A_47 = arith.select %and3A_39, %get3A_24, %broadcast_in_dim3A_46 : vector<16xi1>, vector<16xf32>
      %swap3A_48 = arith.index_cast %mul3A_22 : i32 to index
      %swap3A_49 = tpu.vector_load %arg13[%swap3A_48] {strides = array<i32>} : memref<96xf32, #tpu.memory_space<vmem>>, vector<16xf32>,
      %swap3A_50 = vector.shape_cast %swap3A_49 : vector<16xf32> to vector<16xf32>
      %swap3A_51 = vector.shape_cast %select_n3A_47 : vector<16xf32> to vector<16xf32>
      tpu.vector_store %arg13[%swap3A_48], %swap3A_51 {strides = array<i32>} : memref<96xf32, #tpu.memory_space<vmem>>, vector<16xf32>,
      %jit3A_52 = arith.constant 9.99999984E+17 : f32
      %broadcast_in_dim3A_53 = vector.broadcast %jit3A_52 : f32 to vector<16xf32>
      %select_n3A_54 = arith.select %and3A_39, %get3A_27, %broadcast_in_dim3A_53 : vector<16xi1>, vector<16xf32>
      %swap3A_55 = arith.index_cast %mul3A_22 : i32 to index
      %swap3A_56 = tpu.vector_load %arg14[%swap3A_55] {strides = array<i32>} : memref<96xf32, #tpu.memory_space<vmem>>, vector<16xf32>,
      %swap3A_57 = vector.shape_cast %swap3A_56 : vector<16xf32> to vector<16xf32>
      %swap3A_58 = vector.shape_cast %select_n3A_54 : vector<16xf32> to vector<16xf32>
      tpu.vector_store %arg14[%swap3A_55], %swap3A_58 {strides = array<i32>} : memref<96xf32, #tpu.memory_space<vmem>>, vector<16xf32>,
    }
    %scan3A_7 = arith.constant 6 : i32
    %scan3A_8 = arith.constant 0 : i32
    %scan3A_9 = arith.constant 0 : i32
    %scan3A_10 = arith.constant 512 : i32
    %scan3A_11 = arith.addi %scan3A_9, %scan3A_10 : i32
    %scan3A_12 = arith.constant 1 : i32
    scf.for %scan3A_20 = %scan3A_9 to %scan3A_11 step %scan3A_12  : i32 {
      %mul3A_21 = arith.constant 16 : i32
      %mul3A_22 = arith.muli %scan3A_20, %mul3A_21 : i32
      %get3A = arith.index_cast %mul3A_22 : i32 to index
      %get3A_23 = tpu.vector_load %arg9[%get3A] {strides = array<i32>} : memref<8192xf32, #tpu.memory_space<vmem>>, vector<16xf32>,
      %get3A_24 = vector.shape_cast %get3A_23 : vector<16xf32> to vector<16xf32>
      %get3A_25 = arith.index_cast %mul3A_22 : i32 to index
      %get3A_26 = tpu.vector_load %arg10[%get3A_25] {strides = array<i32>} : memref<8192xf32, #tpu.memory_space<vmem>>, vector<16xf32>,
      %get3A_27 = vector.shape_cast %get3A_26 : vector<16xf32> to vector<16xf32>
      %mul3A_28 = arith.mulf %get3A_24, %get3A_24 : vector<16xf32>
      %mul3A_29 = arith.mulf %get3A_27, %get3A_27 : vector<16xf32>
      %add3A_30 = arith.addf %mul3A_28, %mul3A_29 : vector<16xf32>
      %swap3A = arith.index_cast %mul3A_22 : i32 to index
      %swap3A_31 = tpu.vector_load %arg11[%swap3A] {strides = array<i32>} : memref<8192xf32, #tpu.memory_space<vmem>>, vector<16xf32>,
      %swap3A_32 = vector.shape_cast %swap3A_31 : vector<16xf32> to vector<16xf32>
      %swap3A_33 = vector.shape_cast %add3A_30 : vector<16xf32> to vector<16xf32>
      tpu.vector_store %arg11[%swap3A], %swap3A_33 {strides = array<i32>} : memref<8192xf32, #tpu.memory_space<vmem>>, vector<16xf32>,
      %broadcast_in_dim3A = arith.constant 3.000000e+38 : f32
      %broadcast_in_dim3A_34 = vector.broadcast %broadcast_in_dim3A : f32 to vector<16xf32>
      %swap3A_35 = arith.index_cast %mul3A_22 : i32 to index
      %swap3A_36 = tpu.vector_load %arg12[%swap3A_35] {strides = array<i32>} : memref<8192xf32, #tpu.memory_space<vmem>>, vector<16xf32>,
      %swap3A_37 = vector.shape_cast %swap3A_36 : vector<16xf32> to vector<16xf32>
      %swap3A_38 = vector.shape_cast %broadcast_in_dim3A_34 : vector<16xf32> to vector<16xf32>
      tpu.vector_store %arg12[%swap3A_35], %swap3A_38 {strides = array<i32>} : memref<8192xf32, #tpu.memory_space<vmem>>, vector<16xf32>,
    }
    %scan3A_13 = arith.constant 512 : i32
    %iota3A = tpu.iota {dimensions = array<i32: 0>} : vector<16xi32>
    %scan3A_14 = arith.constant 0 : i32
    %scan3A_15 = arith.constant 0 : i32
    %scan3A_16 = arith.constant 6 : i32
    %scan3A_17 = arith.addi %scan3A_15, %scan3A_16 : i32
    %scan3A_18 = arith.constant 1 : i32
    scf.for %scan3A_20 = %scan3A_15 to %scan3A_17 step %scan3A_18  : i32 {
      %mul3A_21 = arith.constant 16 : i32
      %mul3A_22 = arith.muli %scan3A_20, %mul3A_21 : i32
      %get3A = arith.index_cast %mul3A_22 : i32 to index
      %get3A_23 = tpu.vector_load %arg13[%get3A] {strides = array<i32>} : memref<96xf32, #tpu.memory_space<vmem>>, vector<16xf32>,
      %get3A_24 = vector.shape_cast %get3A_23 : vector<16xf32> to vector<16xf32>
      %get3A_25 = arith.index_cast %mul3A_22 : i32 to index
      %get3A_26 = tpu.vector_load %arg14[%get3A_25] {strides = array<i32>} : memref<96xf32, #tpu.memory_space<vmem>>, vector<16xf32>,
      %get3A_27 = vector.shape_cast %get3A_26 : vector<16xf32> to vector<16xf32>
      %broadcast_in_dim3A = arith.constant 3.000000e+38 : f32
      %broadcast_in_dim3A_28 = vector.broadcast %broadcast_in_dim3A : f32 to vector<16xf32>
      %slice3A = vector.extract_strided_slice %get3A_24 {offsets = [0], sizes = [1], strides = [1]} : vector<16xf32> to vector<1xf32>
      %squeeze3A = vector.extract %slice3A[0] : f32 from vector<1xf32>
      %broadcast_in_dim3A_29 = vector.broadcast %squeeze3A : f32 to vector<16xf32>
      %slice3A_30 = vector.extract_strided_slice %get3A_27 {offsets = [0], sizes = [1], strides = [1]} : vector<16xf32> to vector<1xf32>
      %squeeze3A_31 = vector.extract %slice3A_30[0] : f32 from vector<1xf32>
      %broadcast_in_dim3A_32 = vector.broadcast %squeeze3A_31 : f32 to vector<16xf32>
      %mul3A_33 = arith.constant -2.000000e+00 : f32
      %mul3A_34 = vector.broadcast %mul3A_33 : f32 to vector<16xf32>
      %mul3A_35 = arith.mulf %broadcast_in_dim3A_29, %mul3A_34 : vector<16xf32>
      %mul3A_36 = arith.constant -2.000000e+00 : f32
      %mul3A_37 = vector.broadcast %mul3A_36 : f32 to vector<16xf32>
      %mul3A_38 = arith.mulf %broadcast_in_dim3A_32, %mul3A_37 : vector<16xf32>
      %mul3A_39 = arith.mulf %broadcast_in_dim3A_29, %broadcast_in_dim3A_29 : vector<16xf32>
      %mul3A_40 = arith.mulf %broadcast_in_dim3A_32, %broadcast_in_dim3A_32 : vector<16xf32>
      %add3A_41 = arith.addf %mul3A_39, %mul3A_40 : vector<16xf32>
      %slice3A_42 = vector.extract_strided_slice %get3A_24 {offsets = [1], sizes = [1], strides = [1]} : vector<16xf32> to vector<1xf32>
      %squeeze3A_43 = vector.extract %slice3A_42[0] : f32 from vector<1xf32>
      %broadcast_in_dim3A_44 = vector.broadcast %squeeze3A_43 : f32 to vector<16xf32>
      %slice3A_45 = vector.extract_strided_slice %get3A_27 {offsets = [1], sizes = [1], strides = [1]} : vector<16xf32> to vector<1xf32>
      %squeeze3A_46 = vector.extract %slice3A_45[0] : f32 from vector<1xf32>
      %broadcast_in_dim3A_47 = vector.broadcast %squeeze3A_46 : f32 to vector<16xf32>
      %mul3A_48 = arith.constant -2.000000e+00 : f32
      %mul3A_49 = vector.broadcast %mul3A_48 : f32 to vector<16xf32>
      %mul3A_50 = arith.mulf %broadcast_in_dim3A_44, %mul3A_49 : vector<16xf32>
      %mul3A_51 = arith.constant -2.000000e+00 : f32
      %mul3A_52 = vector.broadcast %mul3A_51 : f32 to vector<16xf32>
      %mul3A_53 = arith.mulf %broadcast_in_dim3A_47, %mul3A_52 : vector<16xf32>
      %mul3A_54 = arith.mulf %broadcast_in_dim3A_44, %broadcast_in_dim3A_44 : vector<16xf32>
      %mul3A_55 = arith.mulf %broadcast_in_dim3A_47, %broadcast_in_dim3A_47 : vector<16xf32>
      %add3A_56 = arith.addf %mul3A_54, %mul3A_55 : vector<16xf32>
      %slice3A_57 = vector.extract_strided_slice %get3A_24 {offsets = [2], sizes = [1], strides = [1]} : vector<16xf32> to vector<1xf32>
      %squeeze3A_58 = vector.extract %slice3A_57[0] : f32 from vector<1xf32>
      %broadcast_in_dim3A_59 = vector.broadcast %squeeze3A_58 : f32 to vector<16xf32>
      %slice3A_60 = vector.extract_strided_slice %get3A_27 {offsets = [2], sizes = [1], strides = [1]} : vector<16xf32> to vector<1xf32>
      %squeeze3A_61 = vector.extract %slice3A_60[0] : f32 from vector<1xf32>
      %broadcast_in_dim3A_62 = vector.broadcast %squeeze3A_61 : f32 to vector<16xf32>
      %mul3A_63 = arith.constant -2.000000e+00 : f32
      %mul3A_64 = vector.broadcast %mul3A_63 : f32 to vector<16xf32>
      %mul3A_65 = arith.mulf %broadcast_in_dim3A_59, %mul3A_64 : vector<16xf32>
      %mul3A_66 = arith.constant -2.000000e+00 : f32
      %mul3A_67 = vector.broadcast %mul3A_66 : f32 to vector<16xf32>
      %mul3A_68 = arith.mulf %broadcast_in_dim3A_62, %mul3A_67 : vector<16xf32>
      %mul3A_69 = arith.mulf %broadcast_in_dim3A_59, %broadcast_in_dim3A_59 : vector<16xf32>
      %mul3A_70 = arith.mulf %broadcast_in_dim3A_62, %broadcast_in_dim3A_62 : vector<16xf32>
      %add3A_71 = arith.addf %mul3A_69, %mul3A_70 : vector<16xf32>
      %slice3A_72 = vector.extract_strided_slice %get3A_24 {offsets = [3], sizes = [1], strides = [1]} : vector<16xf32> to vector<1xf32>
      %squeeze3A_73 = vector.extract %slice3A_72[0] : f32 from vector<1xf32>
      %broadcast_in_dim3A_74 = vector.broadcast %squeeze3A_73 : f32 to vector<16xf32>
      %slice3A_75 = vector.extract_strided_slice %get3A_27 {offsets = [3], sizes = [1], strides = [1]} : vector<16xf32> to vector<1xf32>
      %squeeze3A_76 = vector.extract %slice3A_75[0] : f32 from vector<1xf32>
      %broadcast_in_dim3A_77 = vector.broadcast %squeeze3A_76 : f32 to vector<16xf32>
      %mul3A_78 = arith.constant -2.000000e+00 : f32
      %mul3A_79 = vector.broadcast %mul3A_78 : f32 to vector<16xf32>
      %mul3A_80 = arith.mulf %broadcast_in_dim3A_74, %mul3A_79 : vector<16xf32>
      %mul3A_81 = arith.constant -2.000000e+00 : f32
      %mul3A_82 = vector.broadcast %mul3A_81 : f32 to vector<16xf32>
      %mul3A_83 = arith.mulf %broadcast_in_dim3A_77, %mul3A_82 : vector<16xf32>
      %mul3A_84 = arith.mulf %broadcast_in_dim3A_74, %broadcast_in_dim3A_74 : vector<16xf32>
      %mul3A_85 = arith.mulf %broadcast_in_dim3A_77, %broadcast_in_dim3A_77 : vector<16xf32>
      %add3A_86 = arith.addf %mul3A_84, %mul3A_85 : vector<16xf32>
      %broadcast_in_dim3A_87 = arith.constant 3.000000e+38 : f32
      %broadcast_in_dim3A_88 = vector.broadcast %broadcast_in_dim3A_87 : f32 to vector<16xf32>
      %broadcast_in_dim3A_89 = arith.constant 3.000000e+38 : f32
      %broadcast_in_dim3A_90 = vector.broadcast %broadcast_in_dim3A_89 : f32 to vector<16xf32>
      %broadcast_in_dim3A_91 = arith.constant 3.000000e+38 : f32
      %broadcast_in_dim3A_92 = vector.broadcast %broadcast_in_dim3A_91 : f32 to vector<16xf32>
      %broadcast_in_dim3A_93 = arith.constant 3.000000e+38 : f32
      %broadcast_in_dim3A_94 = vector.broadcast %broadcast_in_dim3A_93 : f32 to vector<16xf32>
      %parallel_loop3A = arith.constant 0 : i32
      %parallel_loop3A_95 = arith.constant 512 : i32
      %parallel_loop3A_96 = arith.constant 1 : i32
      %parallel_loop3A_97:4 = scf.for %parallel_loop3A_856 = %parallel_loop3A to %parallel_loop3A_95 step %parallel_loop3A_96 iter_args(%parallel_loop3A_857 = %broadcast_in_dim3A_88, %parallel_loop3A_858 = %broadcast_in_dim3A_90, %parallel_loop3A_859 = %broadcast_in_dim3A_92, %parallel_loop3A_860 = %broadcast_in_dim3A_94) -> (vector<16xf32>, vector<16xf32>, vector<16xf32>, vector<16xf32>)  : i32 {
        %parallel_loop3A_861 = arith.constant 16 : i32
        %parallel_loop3A_862 = arith.muli %parallel_loop3A_856, %parallel_loop3A_861 : i32
        %parallel_loop3A_863 = arith.index_cast %parallel_loop3A_862 : i32 to index
        %parallel_loop3A_864 = tpu.vector_load %arg9[%parallel_loop3A_863] {strides = array<i32>} : memref<8192xf32, #tpu.memory_space<vmem>>, vector<16xf32>,
        %parallel_loop3A_865 = vector.shape_cast %parallel_loop3A_864 : vector<16xf32> to vector<16xf32>
        %parallel_loop3A_866 = arith.index_cast %parallel_loop3A_862 : i32 to index
        %parallel_loop3A_867 = tpu.vector_load %arg10[%parallel_loop3A_866] {strides = array<i32>} : memref<8192xf32, #tpu.memory_space<vmem>>, vector<16xf32>,
        %parallel_loop3A_868 = vector.shape_cast %parallel_loop3A_867 : vector<16xf32> to vector<16xf32>
        %parallel_loop3A_869 = arith.index_cast %parallel_loop3A_862 : i32 to index
        %parallel_loop3A_870 = tpu.vector_load %arg11[%parallel_loop3A_869] {strides = array<i32>} : memref<8192xf32, #tpu.memory_space<vmem>>, vector<16xf32>,
        %parallel_loop3A_871 = vector.shape_cast %parallel_loop3A_870 : vector<16xf32> to vector<16xf32>
        %parallel_loop3A_872 = arith.mulf %mul3A_35, %parallel_loop3A_865 : vector<16xf32>
        %parallel_loop3A_873 = arith.addf %parallel_loop3A_872, %parallel_loop3A_871 : vector<16xf32>
        %parallel_loop3A_874 = arith.mulf %mul3A_38, %parallel_loop3A_868 : vector<16xf32>
        %parallel_loop3A_875 = arith.addf %parallel_loop3A_874, %parallel_loop3A_873 : vector<16xf32>
        %parallel_loop3A_876 = arith.minimumf %parallel_loop3A_857, %parallel_loop3A_875 : vector<16xf32>
        %parallel_loop3A_877 = arith.addf %parallel_loop3A_875, %add3A_41 : vector<16xf32>
        %parallel_loop3A_878 = arith.mulf %mul3A_50, %parallel_loop3A_865 : vector<16xf32>
        %parallel_loop3A_879 = arith.addf %parallel_loop3A_878, %parallel_loop3A_871 : vector<16xf32>
        %parallel_loop3A_880 = arith.mulf %mul3A_53, %parallel_loop3A_868 : vector<16xf32>
        %parallel_loop3A_881 = arith.addf %parallel_loop3A_880, %parallel_loop3A_879 : vector<16xf32>
        %parallel_loop3A_882 = arith.minimumf %parallel_loop3A_858, %parallel_loop3A_881 : vector<16xf32>
        %parallel_loop3A_883 = arith.addf %parallel_loop3A_881, %add3A_56 : vector<16xf32>
        %parallel_loop3A_884 = arith.mulf %mul3A_65, %parallel_loop3A_865 : vector<16xf32>
        %parallel_loop3A_885 = arith.addf %parallel_loop3A_884, %parallel_loop3A_871 : vector<16xf32>
        %parallel_loop3A_886 = arith.mulf %mul3A_68, %parallel_loop3A_868 : vector<16xf32>
        %parallel_loop3A_887 = arith.addf %parallel_loop3A_886, %parallel_loop3A_885 : vector<16xf32>
        %parallel_loop3A_888 = arith.minimumf %parallel_loop3A_859, %parallel_loop3A_887 : vector<16xf32>
        %parallel_loop3A_889 = arith.addf %parallel_loop3A_887, %add3A_71 : vector<16xf32>
        %parallel_loop3A_890 = arith.mulf %mul3A_80, %parallel_loop3A_865 : vector<16xf32>
        %parallel_loop3A_891 = arith.addf %parallel_loop3A_890, %parallel_loop3A_871 : vector<16xf32>
        %parallel_loop3A_892 = arith.mulf %mul3A_83, %parallel_loop3A_868 : vector<16xf32>
        %parallel_loop3A_893 = arith.addf %parallel_loop3A_892, %parallel_loop3A_891 : vector<16xf32>
        %parallel_loop3A_894 = arith.minimumf %parallel_loop3A_860, %parallel_loop3A_893 : vector<16xf32>
        %parallel_loop3A_895 = arith.addf %parallel_loop3A_893, %add3A_86 : vector<16xf32>
        %parallel_loop3A_896 = arith.minimumf %parallel_loop3A_877, %parallel_loop3A_883 : vector<16xf32>
        %parallel_loop3A_897 = arith.minimumf %parallel_loop3A_889, %parallel_loop3A_895 : vector<16xf32>
        %parallel_loop3A_898 = arith.minimumf %parallel_loop3A_896, %parallel_loop3A_897 : vector<16xf32>
        %parallel_loop3A_899 = arith.index_cast %parallel_loop3A_862 : i32 to index
        %parallel_loop3A_900 = tpu.vector_load %arg12[%parallel_loop3A_899] {strides = array<i32>} : memref<8192xf32, #tpu.memory_space<vmem>>, vector<16xf32>,
        %parallel_loop3A_901 = vector.shape_cast %parallel_loop3A_900 : vector<16xf32> to vector<16xf32>
        %parallel_loop3A_902 = arith.minimumf %parallel_loop3A_901, %parallel_loop3A_898 : vector<16xf32>
        %parallel_loop3A_903 = arith.index_cast %parallel_loop3A_862 : i32 to index
        %parallel_loop3A_904 = tpu.vector_load %arg12[%parallel_loop3A_903] {strides = array<i32>} : memref<8192xf32, #tpu.memory_space<vmem>>, vector<16xf32>,
        %parallel_loop3A_905 = vector.shape_cast %parallel_loop3A_904 : vector<16xf32> to vector<16xf32>
        %parallel_loop3A_906 = vector.shape_cast %parallel_loop3A_902 : vector<16xf32> to vector<16xf32>
        tpu.vector_store %arg12[%parallel_loop3A_903], %parallel_loop3A_906 {strides = array<i32>} : memref<8192xf32, #tpu.memory_space<vmem>>, vector<16xf32>,
        scf.yield %parallel_loop3A_876, %parallel_loop3A_882, %parallel_loop3A_888, %parallel_loop3A_894 : vector<16xf32>, vector<16xf32>, vector<16xf32>, vector<16xf32>
      } {sc.loop_unroll_factor = 8 : i64, sc.parallel_access}
      %iota3A_98 = tpu.iota {dimensions = array<i32: 0>} : vector<16xi32>
      %xor3A = arith.constant 8 : i32
      %xor3A_99 = vector.broadcast %xor3A : i32 to vector<16xi32>
      %xor3A_100 = arith.xori %iota3A_98, %xor3A_99 : vector<16xi32>
      %broadcast_in_dim3A_101 = vector.shape_cast %xor3A_100 : vector<16xi32> to vector<16x1xi32>
      %gather3A = vector.shape_cast %broadcast_in_dim3A_101 : vector<16x1xi32> to vector<16xi32>
      %gather3A_102 = tpu.dynamic_gather %parallel_loop3A_97#0[%gather3A] in [0] : vector<16xf32>, vector<16xi32> -> vector<16xf32>
      %min3A = arith.minimumf %parallel_loop3A_97#0, %gather3A_102 : vector<16xf32>
      %xor3A_103 = arith.constant 4 : i32
      %xor3A_104 = vector.broadcast %xor3A_103 : i32 to vector<16xi32>
      %xor3A_105 = arith.xori %iota3A_98, %xor3A_104 : vector<16xi32>
      %broadcast_in_dim3A_106 = vector.shape_cast %xor3A_105 : vector<16xi32> to vector<16x1xi32>
      %gather3A_107 = vector.shape_cast %broadcast_in_dim3A_106 : vector<16x1xi32> to vector<16xi32>
      %gather3A_108 = tpu.dynamic_gather %min3A[%gather3A_107] in [0] : vector<16xf32>, vector<16xi32> -> vector<16xf32>
      %min3A_109 = arith.minimumf %min3A, %gather3A_108 : vector<16xf32>
      %xor3A_110 = arith.constant 2 : i32
      %xor3A_111 = vector.broadcast %xor3A_110 : i32 to vector<16xi32>
      %xor3A_112 = arith.xori %iota3A_98, %xor3A_111 : vector<16xi32>
      %broadcast_in_dim3A_113 = vector.shape_cast %xor3A_112 : vector<16xi32> to vector<16x1xi32>
      %gather3A_114 = vector.shape_cast %broadcast_in_dim3A_113 : vector<16x1xi32> to vector<16xi32>
      %gather3A_115 = tpu.dynamic_gather %min3A_109[%gather3A_114] in [0] : vector<16xf32>, vector<16xi32> -> vector<16xf32>
      %min3A_116 = arith.minimumf %min3A_109, %gather3A_115 : vector<16xf32>
      %xor3A_117 = arith.constant 1 : i32
      %xor3A_118 = vector.broadcast %xor3A_117 : i32 to vector<16xi32>
      %xor3A_119 = arith.xori %iota3A_98, %xor3A_118 : vector<16xi32>
      %broadcast_in_dim3A_120 = vector.shape_cast %xor3A_119 : vector<16xi32> to vector<16x1xi32>
      %gather3A_121 = vector.shape_cast %broadcast_in_dim3A_120 : vector<16x1xi32> to vector<16xi32>
      %gather3A_122 = tpu.dynamic_gather %min3A_116[%gather3A_121] in [0] : vector<16xf32>, vector<16xi32> -> vector<16xf32>
      %min3A_123 = arith.minimumf %min3A_116, %gather3A_122 : vector<16xf32>
      %add3A_124 = arith.addf %min3A_123, %add3A_41 : vector<16xf32>
      %eq3A = arith.constant 0 : i32
      %eq3A_125 = vector.broadcast %eq3A : i32 to vector<16xi32>
      %eq3A_126 = arith.cmpi eq, %iota3A, %eq3A_125 : vector<16xi32>
      %select_n3A = arith.select %eq3A_126, %add3A_124, %broadcast_in_dim3A_28 : vector<16xi1>, vector<16xf32>
      %iota3A_127 = tpu.iota {dimensions = array<i32: 0>} : vector<16xi32>
      %xor3A_128 = arith.constant 8 : i32
      %xor3A_129 = vector.broadcast %xor3A_128 : i32 to vector<16xi32>
      %xor3A_130 = arith.xori %iota3A_127, %xor3A_129 : vector<16xi32>
      %broadcast_in_dim3A_131 = vector.shape_cast %xor3A_130 : vector<16xi32> to vector<16x1xi32>
      %gather3A_132 = vector.shape_cast %broadcast_in_dim3A_131 : vector<16x1xi32> to vector<16xi32>
      %gather3A_133 = tpu.dynamic_gather %parallel_loop3A_97#1[%gather3A_132] in [0] : vector<16xf32>, vector<16xi32> -> vector<16xf32>
      %min3A_134 = arith.minimumf %parallel_loop3A_97#1, %gather3A_133 : vector<16xf32>
      %xor3A_135 = arith.constant 4 : i32
      %xor3A_136 = vector.broadcast %xor3A_135 : i32 to vector<16xi32>
      %xor3A_137 = arith.xori %iota3A_127, %xor3A_136 : vector<16xi32>
      %broadcast_in_dim3A_138 = vector.shape_cast %xor3A_137 : vector<16xi32> to vector<16x1xi32>
      %gather3A_139 = vector.shape_cast %broadcast_in_dim3A_138 : vector<16x1xi32> to vector<16xi32>
      %gather3A_140 = tpu.dynamic_gather %min3A_134[%gather3A_139] in [0] : vector<16xf32>, vector<16xi32> -> vector<16xf32>
      %min3A_141 = arith.minimumf %min3A_134, %gather3A_140 : vector<16xf32>
      %xor3A_142 = arith.constant 2 : i32
      %xor3A_143 = vector.broadcast %xor3A_142 : i32 to vector<16xi32>
      %xor3A_144 = arith.xori %iota3A_127, %xor3A_143 : vector<16xi32>
      %broadcast_in_dim3A_145 = vector.shape_cast %xor3A_144 : vector<16xi32> to vector<16x1xi32>
      %gather3A_146 = vector.shape_cast %broadcast_in_dim3A_145 : vector<16x1xi32> to vector<16xi32>
      %gather3A_147 = tpu.dynamic_gather %min3A_141[%gather3A_146] in [0] : vector<16xf32>, vector<16xi32> -> vector<16xf32>
      %min3A_148 = arith.minimumf %min3A_141, %gather3A_147 : vector<16xf32>
      %xor3A_149 = arith.constant 1 : i32
      %xor3A_150 = vector.broadcast %xor3A_149 : i32 to vector<16xi32>
      %xor3A_151 = arith.xori %iota3A_127, %xor3A_150 : vector<16xi32>
      %broadcast_in_dim3A_152 = vector.shape_cast %xor3A_151 : vector<16xi32> to vector<16x1xi32>
      %gather3A_153 = vector.shape_cast %broadcast_in_dim3A_152 : vector<16x1xi32> to vector<16xi32>
      %gather3A_154 = tpu.dynamic_gather %min3A_148[%gather3A_153] in [0] : vector<16xf32>, vector<16xi32> -> vector<16xf32>
      %min3A_155 = arith.minimumf %min3A_148, %gather3A_154 : vector<16xf32>
      %add3A_156 = arith.addf %min3A_155, %add3A_56 : vector<16xf32>
      %eq3A_157 = arith.constant 1 : i32
      %eq3A_158 = vector.broadcast %eq3A_157 : i32 to vector<16xi32>
      %eq3A_159 = arith.cmpi eq, %iota3A, %eq3A_158 : vector<16xi32>
      %select_n3A_160 = arith.select %eq3A_159, %add3A_156, %select_n3A : vector<16xi1>, vector<16xf32>
      %iota3A_161 = tpu.iota {dimensions = array<i32: 0>} : vector<16xi32>
      %xor3A_162 = arith.constant 8 : i32
      %xor3A_163 = vector.broadcast %xor3A_162 : i32 to vector<16xi32>
      %xor3A_164 = arith.xori %iota3A_161, %xor3A_163 : vector<16xi32>
      %broadcast_in_dim3A_165 = vector.shape_cast %xor3A_164 : vector<16xi32> to vector<16x1xi32>
      %gather3A_166 = vector.shape_cast %broadcast_in_dim3A_165 : vector<16x1xi32> to vector<16xi32>
      %gather3A_167 = tpu.dynamic_gather %parallel_loop3A_97#2[%gather3A_166] in [0] : vector<16xf32>, vector<16xi32> -> vector<16xf32>
      %min3A_168 = arith.minimumf %parallel_loop3A_97#2, %gather3A_167 : vector<16xf32>
      %xor3A_169 = arith.constant 4 : i32
      %xor3A_170 = vector.broadcast %xor3A_169 : i32 to vector<16xi32>
      %xor3A_171 = arith.xori %iota3A_161, %xor3A_170 : vector<16xi32>
      %broadcast_in_dim3A_172 = vector.shape_cast %xor3A_171 : vector<16xi32> to vector<16x1xi32>
      %gather3A_173 = vector.shape_cast %broadcast_in_dim3A_172 : vector<16x1xi32> to vector<16xi32>
      %gather3A_174 = tpu.dynamic_gather %min3A_168[%gather3A_173] in [0] : vector<16xf32>, vector<16xi32> -> vector<16xf32>
      %min3A_175 = arith.minimumf %min3A_168, %gather3A_174 : vector<16xf32>
      %xor3A_176 = arith.constant 2 : i32
      %xor3A_177 = vector.broadcast %xor3A_176 : i32 to vector<16xi32>
      %xor3A_178 = arith.xori %iota3A_161, %xor3A_177 : vector<16xi32>
      %broadcast_in_dim3A_179 = vector.shape_cast %xor3A_178 : vector<16xi32> to vector<16x1xi32>
      %gather3A_180 = vector.shape_cast %broadcast_in_dim3A_179 : vector<16x1xi32> to vector<16xi32>
      %gather3A_181 = tpu.dynamic_gather %min3A_175[%gather3A_180] in [0] : vector<16xf32>, vector<16xi32> -> vector<16xf32>
      %min3A_182 = arith.minimumf %min3A_175, %gather3A_181 : vector<16xf32>
      %xor3A_183 = arith.constant 1 : i32
      %xor3A_184 = vector.broadcast %xor3A_183 : i32 to vector<16xi32>
      %xor3A_185 = arith.xori %iota3A_161, %xor3A_184 : vector<16xi32>
      %broadcast_in_dim3A_186 = vector.shape_cast %xor3A_185 : vector<16xi32> to vector<16x1xi32>
      %gather3A_187 = vector.shape_cast %broadcast_in_dim3A_186 : vector<16x1xi32> to vector<16xi32>
      %gather3A_188 = tpu.dynamic_gather %min3A_182[%gather3A_187] in [0] : vector<16xf32>, vector<16xi32> -> vector<16xf32>
      %min3A_189 = arith.minimumf %min3A_182, %gather3A_188 : vector<16xf32>
      %add3A_190 = arith.addf %min3A_189, %add3A_71 : vector<16xf32>
      %eq3A_191 = arith.constant 2 : i32
      %eq3A_192 = vector.broadcast %eq3A_191 : i32 to vector<16xi32>
      %eq3A_193 = arith.cmpi eq, %iota3A, %eq3A_192 : vector<16xi32>
      %select_n3A_194 = arith.select %eq3A_193, %add3A_190, %select_n3A_160 : vector<16xi1>, vector<16xf32>
      %iota3A_195 = tpu.iota {dimensions = array<i32: 0>} : vector<16xi32>
      %xor3A_196 = arith.constant 8 : i32
      %xor3A_197 = vector.broadcast %xor3A_196 : i32 to vector<16xi32>
      %xor3A_198 = arith.xori %iota3A_195, %xor3A_197 : vector<16xi32>
      %broadcast_in_dim3A_199 = vector.shape_cast %xor3A_198 : vector<16xi32> to vector<16x1xi32>
      %gather3A_200 = vector.shape_cast %broadcast_in_dim3A_199 : vector<16x1xi32> to vector<16xi32>
      %gather3A_201 = tpu.dynamic_gather %parallel_loop3A_97#3[%gather3A_200] in [0] : vector<16xf32>, vector<16xi32> -> vector<16xf32>
      %min3A_202 = arith.minimumf %parallel_loop3A_97#3, %gather3A_201 : vector<16xf32>
      %xor3A_203 = arith.constant 4 : i32
      %xor3A_204 = vector.broadcast %xor3A_203 : i32 to vector<16xi32>
      %xor3A_205 = arith.xori %iota3A_195, %xor3A_204 : vector<16xi32>
      %broadcast_in_dim3A_206 = vector.shape_cast %xor3A_205 : vector<16xi32> to vector<16x1xi32>
      %gather3A_207 = vector.shape_cast %broadcast_in_dim3A_206 : vector<16x1xi32> to vector<16xi32>
      %gather3A_208 = tpu.dynamic_gather %min3A_202[%gather3A_207] in [0] : vector<16xf32>, vector<16xi32> -> vector<16xf32>
      %min3A_209 = arith.minimumf %min3A_202, %gather3A_208 : vector<16xf32>
      %xor3A_210 = arith.constant 2 : i32
      %xor3A_211 = vector.broadcast %xor3A_210 : i32 to vector<16xi32>
      %xor3A_212 = arith.xori %iota3A_195, %xor3A_211 : vector<16xi32>
      %broadcast_in_dim3A_213 = vector.shape_cast %xor3A_212 : vector<16xi32> to vector<16x1xi32>
      %gather3A_214 = vector.shape_cast %broadcast_in_dim3A_213 : vector<16x1xi32> to vector<16xi32>
      %gather3A_215 = tpu.dynamic_gather %min3A_209[%gather3A_214] in [0] : vector<16xf32>, vector<16xi32> -> vector<16xf32>
      %min3A_216 = arith.minimumf %min3A_209, %gather3A_215 : vector<16xf32>
      %xor3A_217 = arith.constant 1 : i32
      %xor3A_218 = vector.broadcast %xor3A_217 : i32 to vector<16xi32>
      %xor3A_219 = arith.xori %iota3A_195, %xor3A_218 : vector<16xi32>
      %broadcast_in_dim3A_220 = vector.shape_cast %xor3A_219 : vector<16xi32> to vector<16x1xi32>
      %gather3A_221 = vector.shape_cast %broadcast_in_dim3A_220 : vector<16x1xi32> to vector<16xi32>
      %gather3A_222 = tpu.dynamic_gather %min3A_216[%gather3A_221] in [0] : vector<16xf32>, vector<16xi32> -> vector<16xf32>
      %min3A_223 = arith.minimumf %min3A_216, %gather3A_222 : vector<16xf32>
      %add3A_224 = arith.addf %min3A_223, %add3A_86 : vector<16xf32>
      %eq3A_225 = arith.constant 3 : i32
      %eq3A_226 = vector.broadcast %eq3A_225 : i32 to vector<16xi32>
      %eq3A_227 = arith.cmpi eq, %iota3A, %eq3A_226 : vector<16xi32>
      %select_n3A_228 = arith.select %eq3A_227, %add3A_224, %select_n3A_194 : vector<16xi1>, vector<16xf32>
      %slice3A_229 = vector.extract_strided_slice %get3A_24 {offsets = [4], sizes = [1], strides = [1]} : vector<16xf32> to vector<1xf32>
      %squeeze3A_230 = vector.extract %slice3A_229[0] : f32 from vector<1xf32>
      %broadcast_in_dim3A_231 = vector.broadcast %squeeze3A_230 : f32 to vector<16xf32>
      %slice3A_232 = vector.extract_strided_slice %get3A_27 {offsets = [4], sizes = [1], strides = [1]} : vector<16xf32> to vector<1xf32>
      %squeeze3A_233 = vector.extract %slice3A_232[0] : f32 from vector<1xf32>
      %broadcast_in_dim3A_234 = vector.broadcast %squeeze3A_233 : f32 to vector<16xf32>
      %mul3A_235 = arith.constant -2.000000e+00 : f32
      %mul3A_236 = vector.broadcast %mul3A_235 : f32 to vector<16xf32>
      %mul3A_237 = arith.mulf %broadcast_in_dim3A_231, %mul3A_236 : vector<16xf32>
      %mul3A_238 = arith.constant -2.000000e+00 : f32
      %mul3A_239 = vector.broadcast %mul3A_238 : f32 to vector<16xf32>
      %mul3A_240 = arith.mulf %broadcast_in_dim3A_234, %mul3A_239 : vector<16xf32>
      %mul3A_241 = arith.mulf %broadcast_in_dim3A_231, %broadcast_in_dim3A_231 : vector<16xf32>
      %mul3A_242 = arith.mulf %broadcast_in_dim3A_234, %broadcast_in_dim3A_234 : vector<16xf32>
      %add3A_243 = arith.addf %mul3A_241, %mul3A_242 : vector<16xf32>
      %slice3A_244 = vector.extract_strided_slice %get3A_24 {offsets = [5], sizes = [1], strides = [1]} : vector<16xf32> to vector<1xf32>
      %squeeze3A_245 = vector.extract %slice3A_244[0] : f32 from vector<1xf32>
      %broadcast_in_dim3A_246 = vector.broadcast %squeeze3A_245 : f32 to vector<16xf32>
      %slice3A_247 = vector.extract_strided_slice %get3A_27 {offsets = [5], sizes = [1], strides = [1]} : vector<16xf32> to vector<1xf32>
      %squeeze3A_248 = vector.extract %slice3A_247[0] : f32 from vector<1xf32>
      %broadcast_in_dim3A_249 = vector.broadcast %squeeze3A_248 : f32 to vector<16xf32>
      %mul3A_250 = arith.constant -2.000000e+00 : f32
      %mul3A_251 = vector.broadcast %mul3A_250 : f32 to vector<16xf32>
      %mul3A_252 = arith.mulf %broadcast_in_dim3A_246, %mul3A_251 : vector<16xf32>
      %mul3A_253 = arith.constant -2.000000e+00 : f32
      %mul3A_254 = vector.broadcast %mul3A_253 : f32 to vector<16xf32>
      %mul3A_255 = arith.mulf %broadcast_in_dim3A_249, %mul3A_254 : vector<16xf32>
      %mul3A_256 = arith.mulf %broadcast_in_dim3A_246, %broadcast_in_dim3A_246 : vector<16xf32>
      %mul3A_257 = arith.mulf %broadcast_in_dim3A_249, %broadcast_in_dim3A_249 : vector<16xf32>
      %add3A_258 = arith.addf %mul3A_256, %mul3A_257 : vector<16xf32>
      %slice3A_259 = vector.extract_strided_slice %get3A_24 {offsets = [6], sizes = [1], strides = [1]} : vector<16xf32> to vector<1xf32>
      %squeeze3A_260 = vector.extract %slice3A_259[0] : f32 from vector<1xf32>
      %broadcast_in_dim3A_261 = vector.broadcast %squeeze3A_260 : f32 to vector<16xf32>
      %slice3A_262 = vector.extract_strided_slice %get3A_27 {offsets = [6], sizes = [1], strides = [1]} : vector<16xf32> to vector<1xf32>
      %squeeze3A_263 = vector.extract %slice3A_262[0] : f32 from vector<1xf32>
      %broadcast_in_dim3A_264 = vector.broadcast %squeeze3A_263 : f32 to vector<16xf32>
      %mul3A_265 = arith.constant -2.000000e+00 : f32
      %mul3A_266 = vector.broadcast %mul3A_265 : f32 to vector<16xf32>
      %mul3A_267 = arith.mulf %broadcast_in_dim3A_261, %mul3A_266 : vector<16xf32>
      %mul3A_268 = arith.constant -2.000000e+00 : f32
      %mul3A_269 = vector.broadcast %mul3A_268 : f32 to vector<16xf32>
      %mul3A_270 = arith.mulf %broadcast_in_dim3A_264, %mul3A_269 : vector<16xf32>
      %mul3A_271 = arith.mulf %broadcast_in_dim3A_261, %broadcast_in_dim3A_261 : vector<16xf32>
      %mul3A_272 = arith.mulf %broadcast_in_dim3A_264, %broadcast_in_dim3A_264 : vector<16xf32>
      %add3A_273 = arith.addf %mul3A_271, %mul3A_272 : vector<16xf32>
      %slice3A_274 = vector.extract_strided_slice %get3A_24 {offsets = [7], sizes = [1], strides = [1]} : vector<16xf32> to vector<1xf32>
      %squeeze3A_275 = vector.extract %slice3A_274[0] : f32 from vector<1xf32>
      %broadcast_in_dim3A_276 = vector.broadcast %squeeze3A_275 : f32 to vector<16xf32>
      %slice3A_277 = vector.extract_strided_slice %get3A_27 {offsets = [7], sizes = [1], strides = [1]} : vector<16xf32> to vector<1xf32>
      %squeeze3A_278 = vector.extract %slice3A_277[0] : f32 from vector<1xf32>
      %broadcast_in_dim3A_279 = vector.broadcast %squeeze3A_278 : f32 to vector<16xf32>
      %mul3A_280 = arith.constant -2.000000e+00 : f32
      %mul3A_281 = vector.broadcast %mul3A_280 : f32 to vector<16xf32>
      %mul3A_282 = arith.mulf %broadcast_in_dim3A_276, %mul3A_281 : vector<16xf32>
      %mul3A_283 = arith.constant -2.000000e+00 : f32
      %mul3A_284 = vector.broadcast %mul3A_283 : f32 to vector<16xf32>
      %mul3A_285 = arith.mulf %broadcast_in_dim3A_279, %mul3A_284 : vector<16xf32>
      %mul3A_286 = arith.mulf %broadcast_in_dim3A_276, %broadcast_in_dim3A_276 : vector<16xf32>
      %mul3A_287 = arith.mulf %broadcast_in_dim3A_279, %broadcast_in_dim3A_279 : vector<16xf32>
      %add3A_288 = arith.addf %mul3A_286, %mul3A_287 : vector<16xf32>
      %broadcast_in_dim3A_289 = arith.constant 3.000000e+38 : f32
      %broadcast_in_dim3A_290 = vector.broadcast %broadcast_in_dim3A_289 : f32 to vector<16xf32>
      %broadcast_in_dim3A_291 = arith.constant 3.000000e+38 : f32
      %broadcast_in_dim3A_292 = vector.broadcast %broadcast_in_dim3A_291 : f32 to vector<16xf32>
      %broadcast_in_dim3A_293 = arith.constant 3.000000e+38 : f32
      %broadcast_in_dim3A_294 = vector.broadcast %broadcast_in_dim3A_293 : f32 to vector<16xf32>
      %broadcast_in_dim3A_295 = arith.constant 3.000000e+38 : f32
      %broadcast_in_dim3A_296 = vector.broadcast %broadcast_in_dim3A_295 : f32 to vector<16xf32>
      %parallel_loop3A_297 = arith.constant 0 : i32
      %parallel_loop3A_298 = arith.constant 512 : i32
      %parallel_loop3A_299 = arith.constant 1 : i32
      %parallel_loop3A_300:4 = scf.for %parallel_loop3A_856 = %parallel_loop3A_297 to %parallel_loop3A_298 step %parallel_loop3A_299 iter_args(%parallel_loop3A_857 = %broadcast_in_dim3A_290, %parallel_loop3A_858 = %broadcast_in_dim3A_292, %parallel_loop3A_859 = %broadcast_in_dim3A_294, %parallel_loop3A_860 = %broadcast_in_dim3A_296) -> (vector<16xf32>, vector<16xf32>, vector<16xf32>, vector<16xf32>)  : i32 {
        %parallel_loop3A_861 = arith.constant 16 : i32
        %parallel_loop3A_862 = arith.muli %parallel_loop3A_856, %parallel_loop3A_861 : i32
        %parallel_loop3A_863 = arith.index_cast %parallel_loop3A_862 : i32 to index
        %parallel_loop3A_864 = tpu.vector_load %arg9[%parallel_loop3A_863] {strides = array<i32>} : memref<8192xf32, #tpu.memory_space<vmem>>, vector<16xf32>,
        %parallel_loop3A_865 = vector.shape_cast %parallel_loop3A_864 : vector<16xf32> to vector<16xf32>
        %parallel_loop3A_866 = arith.index_cast %parallel_loop3A_862 : i32 to index
        %parallel_loop3A_867 = tpu.vector_load %arg10[%parallel_loop3A_866] {strides = array<i32>} : memref<8192xf32, #tpu.memory_space<vmem>>, vector<16xf32>,
        %parallel_loop3A_868 = vector.shape_cast %parallel_loop3A_867 : vector<16xf32> to vector<16xf32>
        %parallel_loop3A_869 = arith.index_cast %parallel_loop3A_862 : i32 to index
        %parallel_loop3A_870 = tpu.vector_load %arg11[%parallel_loop3A_869] {strides = array<i32>} : memref<8192xf32, #tpu.memory_space<vmem>>, vector<16xf32>,
        %parallel_loop3A_871 = vector.shape_cast %parallel_loop3A_870 : vector<16xf32> to vector<16xf32>
        %parallel_loop3A_872 = arith.mulf %mul3A_237, %parallel_loop3A_865 : vector<16xf32>
        %parallel_loop3A_873 = arith.addf %parallel_loop3A_872, %parallel_loop3A_871 : vector<16xf32>
        %parallel_loop3A_874 = arith.mulf %mul3A_240, %parallel_loop3A_868 : vector<16xf32>
        %parallel_loop3A_875 = arith.addf %parallel_loop3A_874, %parallel_loop3A_873 : vector<16xf32>
        %parallel_loop3A_876 = arith.minimumf %parallel_loop3A_857, %parallel_loop3A_875 : vector<16xf32>
        %parallel_loop3A_877 = arith.addf %parallel_loop3A_875, %add3A_243 : vector<16xf32>
        %parallel_loop3A_878 = arith.mulf %mul3A_252, %parallel_loop3A_865 : vector<16xf32>
        %parallel_loop3A_879 = arith.addf %parallel_loop3A_878, %parallel_loop3A_871 : vector<16xf32>
        %parallel_loop3A_880 = arith.mulf %mul3A_255, %parallel_loop3A_868 : vector<16xf32>
        %parallel_loop3A_881 = arith.addf %parallel_loop3A_880, %parallel_loop3A_879 : vector<16xf32>
        %parallel_loop3A_882 = arith.minimumf %parallel_loop3A_858, %parallel_loop3A_881 : vector<16xf32>
        %parallel_loop3A_883 = arith.addf %parallel_loop3A_881, %add3A_258 : vector<16xf32>
        %parallel_loop3A_884 = arith.mulf %mul3A_267, %parallel_loop3A_865 : vector<16xf32>
        %parallel_loop3A_885 = arith.addf %parallel_loop3A_884, %parallel_loop3A_871 : vector<16xf32>
        %parallel_loop3A_886 = arith.mulf %mul3A_270, %parallel_loop3A_868 : vector<16xf32>
        %parallel_loop3A_887 = arith.addf %parallel_loop3A_886, %parallel_loop3A_885 : vector<16xf32>
        %parallel_loop3A_888 = arith.minimumf %parallel_loop3A_859, %parallel_loop3A_887 : vector<16xf32>
        %parallel_loop3A_889 = arith.addf %parallel_loop3A_887, %add3A_273 : vector<16xf32>
        %parallel_loop3A_890 = arith.mulf %mul3A_282, %parallel_loop3A_865 : vector<16xf32>
        %parallel_loop3A_891 = arith.addf %parallel_loop3A_890, %parallel_loop3A_871 : vector<16xf32>
        %parallel_loop3A_892 = arith.mulf %mul3A_285, %parallel_loop3A_868 : vector<16xf32>
        %parallel_loop3A_893 = arith.addf %parallel_loop3A_892, %parallel_loop3A_891 : vector<16xf32>
        %parallel_loop3A_894 = arith.minimumf %parallel_loop3A_860, %parallel_loop3A_893 : vector<16xf32>
        %parallel_loop3A_895 = arith.addf %parallel_loop3A_893, %add3A_288 : vector<16xf32>
        %parallel_loop3A_896 = arith.minimumf %parallel_loop3A_877, %parallel_loop3A_883 : vector<16xf32>
        %parallel_loop3A_897 = arith.minimumf %parallel_loop3A_889, %parallel_loop3A_895 : vector<16xf32>
        %parallel_loop3A_898 = arith.minimumf %parallel_loop3A_896, %parallel_loop3A_897 : vector<16xf32>
        %parallel_loop3A_899 = arith.index_cast %parallel_loop3A_862 : i32 to index
        %parallel_loop3A_900 = tpu.vector_load %arg12[%parallel_loop3A_899] {strides = array<i32>} : memref<8192xf32, #tpu.memory_space<vmem>>, vector<16xf32>,
        %parallel_loop3A_901 = vector.shape_cast %parallel_loop3A_900 : vector<16xf32> to vector<16xf32>
        %parallel_loop3A_902 = arith.minimumf %parallel_loop3A_901, %parallel_loop3A_898 : vector<16xf32>
        %parallel_loop3A_903 = arith.index_cast %parallel_loop3A_862 : i32 to index
        %parallel_loop3A_904 = tpu.vector_load %arg12[%parallel_loop3A_903] {strides = array<i32>} : memref<8192xf32, #tpu.memory_space<vmem>>, vector<16xf32>,
        %parallel_loop3A_905 = vector.shape_cast %parallel_loop3A_904 : vector<16xf32> to vector<16xf32>
        %parallel_loop3A_906 = vector.shape_cast %parallel_loop3A_902 : vector<16xf32> to vector<16xf32>
        tpu.vector_store %arg12[%parallel_loop3A_903], %parallel_loop3A_906 {strides = array<i32>} : memref<8192xf32, #tpu.memory_space<vmem>>, vector<16xf32>,
        scf.yield %parallel_loop3A_876, %parallel_loop3A_882, %parallel_loop3A_888, %parallel_loop3A_894 : vector<16xf32>, vector<16xf32>, vector<16xf32>, vector<16xf32>
      } {sc.loop_unroll_factor = 8 : i64, sc.parallel_access}
      %iota3A_301 = tpu.iota {dimensions = array<i32: 0>} : vector<16xi32>
      %xor3A_302 = arith.constant 8 : i32
      %xor3A_303 = vector.broadcast %xor3A_302 : i32 to vector<16xi32>
      %xor3A_304 = arith.xori %iota3A_301, %xor3A_303 : vector<16xi32>
      %broadcast_in_dim3A_305 = vector.shape_cast %xor3A_304 : vector<16xi32> to vector<16x1xi32>
      %gather3A_306 = vector.shape_cast %broadcast_in_dim3A_305 : vector<16x1xi32> to vector<16xi32>
      %gather3A_307 = tpu.dynamic_gather %parallel_loop3A_300#0[%gather3A_306] in [0] : vector<16xf32>, vector<16xi32> -> vector<16xf32>
      %min3A_308 = arith.minimumf %parallel_loop3A_300#0, %gather3A_307 : vector<16xf32>
      %xor3A_309 = arith.constant 4 : i32
      %xor3A_310 = vector.broadcast %xor3A_309 : i32 to vector<16xi32>
      %xor3A_311 = arith.xori %iota3A_301, %xor3A_310 : vector<16xi32>
      %broadcast_in_dim3A_312 = vector.shape_cast %xor3A_311 : vector<16xi32> to vector<16x1xi32>
      %gather3A_313 = vector.shape_cast %broadcast_in_dim3A_312 : vector<16x1xi32> to vector<16xi32>
      %gather3A_314 = tpu.dynamic_gather %min3A_308[%gather3A_313] in [0] : vector<16xf32>, vector<16xi32> -> vector<16xf32>
      %min3A_315 = arith.minimumf %min3A_308, %gather3A_314 : vector<16xf32>
      %xor3A_316 = arith.constant 2 : i32
      %xor3A_317 = vector.broadcast %xor3A_316 : i32 to vector<16xi32>
      %xor3A_318 = arith.xori %iota3A_301, %xor3A_317 : vector<16xi32>
      %broadcast_in_dim3A_319 = vector.shape_cast %xor3A_318 : vector<16xi32> to vector<16x1xi32>
      %gather3A_320 = vector.shape_cast %broadcast_in_dim3A_319 : vector<16x1xi32> to vector<16xi32>
      %gather3A_321 = tpu.dynamic_gather %min3A_315[%gather3A_320] in [0] : vector<16xf32>, vector<16xi32> -> vector<16xf32>
      %min3A_322 = arith.minimumf %min3A_315, %gather3A_321 : vector<16xf32>
      %xor3A_323 = arith.constant 1 : i32
      %xor3A_324 = vector.broadcast %xor3A_323 : i32 to vector<16xi32>
      %xor3A_325 = arith.xori %iota3A_301, %xor3A_324 : vector<16xi32>
      %broadcast_in_dim3A_326 = vector.shape_cast %xor3A_325 : vector<16xi32> to vector<16x1xi32>
      %gather3A_327 = vector.shape_cast %broadcast_in_dim3A_326 : vector<16x1xi32> to vector<16xi32>
      %gather3A_328 = tpu.dynamic_gather %min3A_322[%gather3A_327] in [0] : vector<16xf32>, vector<16xi32> -> vector<16xf32>
      %min3A_329 = arith.minimumf %min3A_322, %gather3A_328 : vector<16xf32>
      %add3A_330 = arith.addf %min3A_329, %add3A_243 : vector<16xf32>
      %eq3A_331 = arith.constant 4 : i32
      %eq3A_332 = vector.broadcast %eq3A_331 : i32 to vector<16xi32>
      %eq3A_333 = arith.cmpi eq, %iota3A, %eq3A_332 : vector<16xi32>
      %select_n3A_334 = arith.select %eq3A_333, %add3A_330, %select_n3A_228 : vector<16xi1>, vector<16xf32>
      %iota3A_335 = tpu.iota {dimensions = array<i32: 0>} : vector<16xi32>
      %xor3A_336 = arith.constant 8 : i32
      %xor3A_337 = vector.broadcast %xor3A_336 : i32 to vector<16xi32>
      %xor3A_338 = arith.xori %iota3A_335, %xor3A_337 : vector<16xi32>
      %broadcast_in_dim3A_339 = vector.shape_cast %xor3A_338 : vector<16xi32> to vector<16x1xi32>
      %gather3A_340 = vector.shape_cast %broadcast_in_dim3A_339 : vector<16x1xi32> to vector<16xi32>
      %gather3A_341 = tpu.dynamic_gather %parallel_loop3A_300#1[%gather3A_340] in [0] : vector<16xf32>, vector<16xi32> -> vector<16xf32>
      %min3A_342 = arith.minimumf %parallel_loop3A_300#1, %gather3A_341 : vector<16xf32>
      %xor3A_343 = arith.constant 4 : i32
      %xor3A_344 = vector.broadcast %xor3A_343 : i32 to vector<16xi32>
      %xor3A_345 = arith.xori %iota3A_335, %xor3A_344 : vector<16xi32>
      %broadcast_in_dim3A_346 = vector.shape_cast %xor3A_345 : vector<16xi32> to vector<16x1xi32>
      %gather3A_347 = vector.shape_cast %broadcast_in_dim3A_346 : vector<16x1xi32> to vector<16xi32>
      %gather3A_348 = tpu.dynamic_gather %min3A_342[%gather3A_347] in [0] : vector<16xf32>, vector<16xi32> -> vector<16xf32>
      %min3A_349 = arith.minimumf %min3A_342, %gather3A_348 : vector<16xf32>
      %xor3A_350 = arith.constant 2 : i32
      %xor3A_351 = vector.broadcast %xor3A_350 : i32 to vector<16xi32>
      %xor3A_352 = arith.xori %iota3A_335, %xor3A_351 : vector<16xi32>
      %broadcast_in_dim3A_353 = vector.shape_cast %xor3A_352 : vector<16xi32> to vector<16x1xi32>
      %gather3A_354 = vector.shape_cast %broadcast_in_dim3A_353 : vector<16x1xi32> to vector<16xi32>
      %gather3A_355 = tpu.dynamic_gather %min3A_349[%gather3A_354] in [0] : vector<16xf32>, vector<16xi32> -> vector<16xf32>
      %min3A_356 = arith.minimumf %min3A_349, %gather3A_355 : vector<16xf32>
      %xor3A_357 = arith.constant 1 : i32
      %xor3A_358 = vector.broadcast %xor3A_357 : i32 to vector<16xi32>
      %xor3A_359 = arith.xori %iota3A_335, %xor3A_358 : vector<16xi32>
      %broadcast_in_dim3A_360 = vector.shape_cast %xor3A_359 : vector<16xi32> to vector<16x1xi32>
      %gather3A_361 = vector.shape_cast %broadcast_in_dim3A_360 : vector<16x1xi32> to vector<16xi32>
      %gather3A_362 = tpu.dynamic_gather %min3A_356[%gather3A_361] in [0] : vector<16xf32>, vector<16xi32> -> vector<16xf32>
      %min3A_363 = arith.minimumf %min3A_356, %gather3A_362 : vector<16xf32>
      %add3A_364 = arith.addf %min3A_363, %add3A_258 : vector<16xf32>
      %eq3A_365 = arith.constant 5 : i32
      %eq3A_366 = vector.broadcast %eq3A_365 : i32 to vector<16xi32>
      %eq3A_367 = arith.cmpi eq, %iota3A, %eq3A_366 : vector<16xi32>
      %select_n3A_368 = arith.select %eq3A_367, %add3A_364, %select_n3A_334 : vector<16xi1>, vector<16xf32>
      %iota3A_369 = tpu.iota {dimensions = array<i32: 0>} : vector<16xi32>
      %xor3A_370 = arith.constant 8 : i32
      %xor3A_371 = vector.broadcast %xor3A_370 : i32 to vector<16xi32>
      %xor3A_372 = arith.xori %iota3A_369, %xor3A_371 : vector<16xi32>
      %broadcast_in_dim3A_373 = vector.shape_cast %xor3A_372 : vector<16xi32> to vector<16x1xi32>
      %gather3A_374 = vector.shape_cast %broadcast_in_dim3A_373 : vector<16x1xi32> to vector<16xi32>
      %gather3A_375 = tpu.dynamic_gather %parallel_loop3A_300#2[%gather3A_374] in [0] : vector<16xf32>, vector<16xi32> -> vector<16xf32>
      %min3A_376 = arith.minimumf %parallel_loop3A_300#2, %gather3A_375 : vector<16xf32>
      %xor3A_377 = arith.constant 4 : i32
      %xor3A_378 = vector.broadcast %xor3A_377 : i32 to vector<16xi32>
      %xor3A_379 = arith.xori %iota3A_369, %xor3A_378 : vector<16xi32>
      %broadcast_in_dim3A_380 = vector.shape_cast %xor3A_379 : vector<16xi32> to vector<16x1xi32>
      %gather3A_381 = vector.shape_cast %broadcast_in_dim3A_380 : vector<16x1xi32> to vector<16xi32>
      %gather3A_382 = tpu.dynamic_gather %min3A_376[%gather3A_381] in [0] : vector<16xf32>, vector<16xi32> -> vector<16xf32>
      %min3A_383 = arith.minimumf %min3A_376, %gather3A_382 : vector<16xf32>
      %xor3A_384 = arith.constant 2 : i32
      %xor3A_385 = vector.broadcast %xor3A_384 : i32 to vector<16xi32>
      %xor3A_386 = arith.xori %iota3A_369, %xor3A_385 : vector<16xi32>
      %broadcast_in_dim3A_387 = vector.shape_cast %xor3A_386 : vector<16xi32> to vector<16x1xi32>
      %gather3A_388 = vector.shape_cast %broadcast_in_dim3A_387 : vector<16x1xi32> to vector<16xi32>
      %gather3A_389 = tpu.dynamic_gather %min3A_383[%gather3A_388] in [0] : vector<16xf32>, vector<16xi32> -> vector<16xf32>
      %min3A_390 = arith.minimumf %min3A_383, %gather3A_389 : vector<16xf32>
      %xor3A_391 = arith.constant 1 : i32
      %xor3A_392 = vector.broadcast %xor3A_391 : i32 to vector<16xi32>
      %xor3A_393 = arith.xori %iota3A_369, %xor3A_392 : vector<16xi32>
      %broadcast_in_dim3A_394 = vector.shape_cast %xor3A_393 : vector<16xi32> to vector<16x1xi32>
      %gather3A_395 = vector.shape_cast %broadcast_in_dim3A_394 : vector<16x1xi32> to vector<16xi32>
      %gather3A_396 = tpu.dynamic_gather %min3A_390[%gather3A_395] in [0] : vector<16xf32>, vector<16xi32> -> vector<16xf32>
      %min3A_397 = arith.minimumf %min3A_390, %gather3A_396 : vector<16xf32>
      %add3A_398 = arith.addf %min3A_397, %add3A_273 : vector<16xf32>
      %eq3A_399 = arith.constant 6 : i32
      %eq3A_400 = vector.broadcast %eq3A_399 : i32 to vector<16xi32>
      %eq3A_401 = arith.cmpi eq, %iota3A, %eq3A_400 : vector<16xi32>
      %select_n3A_402 = arith.select %eq3A_401, %add3A_398, %select_n3A_368 : vector<16xi1>, vector<16xf32>
      %iota3A_403 = tpu.iota {dimensions = array<i32: 0>} : vector<16xi32>
      %xor3A_404 = arith.constant 8 : i32
      %xor3A_405 = vector.broadcast %xor3A_404 : i32 to vector<16xi32>
      %xor3A_406 = arith.xori %iota3A_403, %xor3A_405 : vector<16xi32>
      %broadcast_in_dim3A_407 = vector.shape_cast %xor3A_406 : vector<16xi32> to vector<16x1xi32>
      %gather3A_408 = vector.shape_cast %broadcast_in_dim3A_407 : vector<16x1xi32> to vector<16xi32>
      %gather3A_409 = tpu.dynamic_gather %parallel_loop3A_300#3[%gather3A_408] in [0] : vector<16xf32>, vector<16xi32> -> vector<16xf32>
      %min3A_410 = arith.minimumf %parallel_loop3A_300#3, %gather3A_409 : vector<16xf32>
      %xor3A_411 = arith.constant 4 : i32
      %xor3A_412 = vector.broadcast %xor3A_411 : i32 to vector<16xi32>
      %xor3A_413 = arith.xori %iota3A_403, %xor3A_412 : vector<16xi32>
      %broadcast_in_dim3A_414 = vector.shape_cast %xor3A_413 : vector<16xi32> to vector<16x1xi32>
      %gather3A_415 = vector.shape_cast %broadcast_in_dim3A_414 : vector<16x1xi32> to vector<16xi32>
      %gather3A_416 = tpu.dynamic_gather %min3A_410[%gather3A_415] in [0] : vector<16xf32>, vector<16xi32> -> vector<16xf32>
      %min3A_417 = arith.minimumf %min3A_410, %gather3A_416 : vector<16xf32>
      %xor3A_418 = arith.constant 2 : i32
      %xor3A_419 = vector.broadcast %xor3A_418 : i32 to vector<16xi32>
      %xor3A_420 = arith.xori %iota3A_403, %xor3A_419 : vector<16xi32>
      %broadcast_in_dim3A_421 = vector.shape_cast %xor3A_420 : vector<16xi32> to vector<16x1xi32>
      %gather3A_422 = vector.shape_cast %broadcast_in_dim3A_421 : vector<16x1xi32> to vector<16xi32>
      %gather3A_423 = tpu.dynamic_gather %min3A_417[%gather3A_422] in [0] : vector<16xf32>, vector<16xi32> -> vector<16xf32>
      %min3A_424 = arith.minimumf %min3A_417, %gather3A_423 : vector<16xf32>
      %xor3A_425 = arith.constant 1 : i32
      %xor3A_426 = vector.broadcast %xor3A_425 : i32 to vector<16xi32>
      %xor3A_427 = arith.xori %iota3A_403, %xor3A_426 : vector<16xi32>
      %broadcast_in_dim3A_428 = vector.shape_cast %xor3A_427 : vector<16xi32> to vector<16x1xi32>
      %gather3A_429 = vector.shape_cast %broadcast_in_dim3A_428 : vector<16x1xi32> to vector<16xi32>
      %gather3A_430 = tpu.dynamic_gather %min3A_424[%gather3A_429] in [0] : vector<16xf32>, vector<16xi32> -> vector<16xf32>
      %min3A_431 = arith.minimumf %min3A_424, %gather3A_430 : vector<16xf32>
      %add3A_432 = arith.addf %min3A_431, %add3A_288 : vector<16xf32>
      %eq3A_433 = arith.constant 7 : i32
      %eq3A_434 = vector.broadcast %eq3A_433 : i32 to vector<16xi32>
      %eq3A_435 = arith.cmpi eq, %iota3A, %eq3A_434 : vector<16xi32>
      %select_n3A_436 = arith.select %eq3A_435, %add3A_432, %select_n3A_402 : vector<16xi1>, vector<16xf32>
      %slice3A_437 = vector.extract_strided_slice %get3A_24 {offsets = [8], sizes = [1], strides = [1]} : vector<16xf32> to vector<1xf32>
      %squeeze3A_438 = vector.extract %slice3A_437[0] : f32 from vector<1xf32>
      %broadcast_in_dim3A_439 = vector.broadcast %squeeze3A_438 : f32 to vector<16xf32>
      %slice3A_440 = vector.extract_strided_slice %get3A_27 {offsets = [8], sizes = [1], strides = [1]} : vector<16xf32> to vector<1xf32>
      %squeeze3A_441 = vector.extract %slice3A_440[0] : f32 from vector<1xf32>
      %broadcast_in_dim3A_442 = vector.broadcast %squeeze3A_441 : f32 to vector<16xf32>
      %mul3A_443 = arith.constant -2.000000e+00 : f32
      %mul3A_444 = vector.broadcast %mul3A_443 : f32 to vector<16xf32>
      %mul3A_445 = arith.mulf %broadcast_in_dim3A_439, %mul3A_444 : vector<16xf32>
      %mul3A_446 = arith.constant -2.000000e+00 : f32
      %mul3A_447 = vector.broadcast %mul3A_446 : f32 to vector<16xf32>
      %mul3A_448 = arith.mulf %broadcast_in_dim3A_442, %mul3A_447 : vector<16xf32>
      %mul3A_449 = arith.mulf %broadcast_in_dim3A_439, %broadcast_in_dim3A_439 : vector<16xf32>
      %mul3A_450 = arith.mulf %broadcast_in_dim3A_442, %broadcast_in_dim3A_442 : vector<16xf32>
      %add3A_451 = arith.addf %mul3A_449, %mul3A_450 : vector<16xf32>
      %slice3A_452 = vector.extract_strided_slice %get3A_24 {offsets = [9], sizes = [1], strides = [1]} : vector<16xf32> to vector<1xf32>
      %squeeze3A_453 = vector.extract %slice3A_452[0] : f32 from vector<1xf32>
      %broadcast_in_dim3A_454 = vector.broadcast %squeeze3A_453 : f32 to vector<16xf32>
      %slice3A_455 = vector.extract_strided_slice %get3A_27 {offsets = [9], sizes = [1], strides = [1]} : vector<16xf32> to vector<1xf32>
      %squeeze3A_456 = vector.extract %slice3A_455[0] : f32 from vector<1xf32>
      %broadcast_in_dim3A_457 = vector.broadcast %squeeze3A_456 : f32 to vector<16xf32>
      %mul3A_458 = arith.constant -2.000000e+00 : f32
      %mul3A_459 = vector.broadcast %mul3A_458 : f32 to vector<16xf32>
      %mul3A_460 = arith.mulf %broadcast_in_dim3A_454, %mul3A_459 : vector<16xf32>
      %mul3A_461 = arith.constant -2.000000e+00 : f32
      %mul3A_462 = vector.broadcast %mul3A_461 : f32 to vector<16xf32>
      %mul3A_463 = arith.mulf %broadcast_in_dim3A_457, %mul3A_462 : vector<16xf32>
      %mul3A_464 = arith.mulf %broadcast_in_dim3A_454, %broadcast_in_dim3A_454 : vector<16xf32>
      %mul3A_465 = arith.mulf %broadcast_in_dim3A_457, %broadcast_in_dim3A_457 : vector<16xf32>
      %add3A_466 = arith.addf %mul3A_464, %mul3A_465 : vector<16xf32>
      %slice3A_467 = vector.extract_strided_slice %get3A_24 {offsets = [10], sizes = [1], strides = [1]} : vector<16xf32> to vector<1xf32>
      %squeeze3A_468 = vector.extract %slice3A_467[0] : f32 from vector<1xf32>
      %broadcast_in_dim3A_469 = vector.broadcast %squeeze3A_468 : f32 to vector<16xf32>
      %slice3A_470 = vector.extract_strided_slice %get3A_27 {offsets = [10], sizes = [1], strides = [1]} : vector<16xf32> to vector<1xf32>
      %squeeze3A_471 = vector.extract %slice3A_470[0] : f32 from vector<1xf32>
      %broadcast_in_dim3A_472 = vector.broadcast %squeeze3A_471 : f32 to vector<16xf32>
      %mul3A_473 = arith.constant -2.000000e+00 : f32
      %mul3A_474 = vector.broadcast %mul3A_473 : f32 to vector<16xf32>
      %mul3A_475 = arith.mulf %broadcast_in_dim3A_469, %mul3A_474 : vector<16xf32>
      %mul3A_476 = arith.constant -2.000000e+00 : f32
      %mul3A_477 = vector.broadcast %mul3A_476 : f32 to vector<16xf32>
      %mul3A_478 = arith.mulf %broadcast_in_dim3A_472, %mul3A_477 : vector<16xf32>
      %mul3A_479 = arith.mulf %broadcast_in_dim3A_469, %broadcast_in_dim3A_469 : vector<16xf32>
      %mul3A_480 = arith.mulf %broadcast_in_dim3A_472, %broadcast_in_dim3A_472 : vector<16xf32>
      %add3A_481 = arith.addf %mul3A_479, %mul3A_480 : vector<16xf32>
      %slice3A_482 = vector.extract_strided_slice %get3A_24 {offsets = [11], sizes = [1], strides = [1]} : vector<16xf32> to vector<1xf32>
      %squeeze3A_483 = vector.extract %slice3A_482[0] : f32 from vector<1xf32>
      %broadcast_in_dim3A_484 = vector.broadcast %squeeze3A_483 : f32 to vector<16xf32>
      %slice3A_485 = vector.extract_strided_slice %get3A_27 {offsets = [11], sizes = [1], strides = [1]} : vector<16xf32> to vector<1xf32>
      %squeeze3A_486 = vector.extract %slice3A_485[0] : f32 from vector<1xf32>
      %broadcast_in_dim3A_487 = vector.broadcast %squeeze3A_486 : f32 to vector<16xf32>
      %mul3A_488 = arith.constant -2.000000e+00 : f32
      %mul3A_489 = vector.broadcast %mul3A_488 : f32 to vector<16xf32>
      %mul3A_490 = arith.mulf %broadcast_in_dim3A_484, %mul3A_489 : vector<16xf32>
      %mul3A_491 = arith.constant -2.000000e+00 : f32
      %mul3A_492 = vector.broadcast %mul3A_491 : f32 to vector<16xf32>
      %mul3A_493 = arith.mulf %broadcast_in_dim3A_487, %mul3A_492 : vector<16xf32>
      %mul3A_494 = arith.mulf %broadcast_in_dim3A_484, %broadcast_in_dim3A_484 : vector<16xf32>
      %mul3A_495 = arith.mulf %broadcast_in_dim3A_487, %broadcast_in_dim3A_487 : vector<16xf32>
      %add3A_496 = arith.addf %mul3A_494, %mul3A_495 : vector<16xf32>
      %broadcast_in_dim3A_497 = arith.constant 3.000000e+38 : f32
      %broadcast_in_dim3A_498 = vector.broadcast %broadcast_in_dim3A_497 : f32 to vector<16xf32>
      %broadcast_in_dim3A_499 = arith.constant 3.000000e+38 : f32
      %broadcast_in_dim3A_500 = vector.broadcast %broadcast_in_dim3A_499 : f32 to vector<16xf32>
      %broadcast_in_dim3A_501 = arith.constant 3.000000e+38 : f32
      %broadcast_in_dim3A_502 = vector.broadcast %broadcast_in_dim3A_501 : f32 to vector<16xf32>
      %broadcast_in_dim3A_503 = arith.constant 3.000000e+38 : f32
      %broadcast_in_dim3A_504 = vector.broadcast %broadcast_in_dim3A_503 : f32 to vector<16xf32>
      %parallel_loop3A_505 = arith.constant 0 : i32
      %parallel_loop3A_506 = arith.constant 512 : i32
      %parallel_loop3A_507 = arith.constant 1 : i32
      %parallel_loop3A_508:4 = scf.for %parallel_loop3A_856 = %parallel_loop3A_505 to %parallel_loop3A_506 step %parallel_loop3A_507 iter_args(%parallel_loop3A_857 = %broadcast_in_dim3A_498, %parallel_loop3A_858 = %broadcast_in_dim3A_500, %parallel_loop3A_859 = %broadcast_in_dim3A_502, %parallel_loop3A_860 = %broadcast_in_dim3A_504) -> (vector<16xf32>, vector<16xf32>, vector<16xf32>, vector<16xf32>)  : i32 {
        %parallel_loop3A_861 = arith.constant 16 : i32
        %parallel_loop3A_862 = arith.muli %parallel_loop3A_856, %parallel_loop3A_861 : i32
        %parallel_loop3A_863 = arith.index_cast %parallel_loop3A_862 : i32 to index
        %parallel_loop3A_864 = tpu.vector_load %arg9[%parallel_loop3A_863] {strides = array<i32>} : memref<8192xf32, #tpu.memory_space<vmem>>, vector<16xf32>,
        %parallel_loop3A_865 = vector.shape_cast %parallel_loop3A_864 : vector<16xf32> to vector<16xf32>
        %parallel_loop3A_866 = arith.index_cast %parallel_loop3A_862 : i32 to index
        %parallel_loop3A_867 = tpu.vector_load %arg10[%parallel_loop3A_866] {strides = array<i32>} : memref<8192xf32, #tpu.memory_space<vmem>>, vector<16xf32>,
        %parallel_loop3A_868 = vector.shape_cast %parallel_loop3A_867 : vector<16xf32> to vector<16xf32>
        %parallel_loop3A_869 = arith.index_cast %parallel_loop3A_862 : i32 to index
        %parallel_loop3A_870 = tpu.vector_load %arg11[%parallel_loop3A_869] {strides = array<i32>} : memref<8192xf32, #tpu.memory_space<vmem>>, vector<16xf32>,
        %parallel_loop3A_871 = vector.shape_cast %parallel_loop3A_870 : vector<16xf32> to vector<16xf32>
        %parallel_loop3A_872 = arith.mulf %mul3A_445, %parallel_loop3A_865 : vector<16xf32>
        %parallel_loop3A_873 = arith.addf %parallel_loop3A_872, %parallel_loop3A_871 : vector<16xf32>
        %parallel_loop3A_874 = arith.mulf %mul3A_448, %parallel_loop3A_868 : vector<16xf32>
        %parallel_loop3A_875 = arith.addf %parallel_loop3A_874, %parallel_loop3A_873 : vector<16xf32>
        %parallel_loop3A_876 = arith.minimumf %parallel_loop3A_857, %parallel_loop3A_875 : vector<16xf32>
        %parallel_loop3A_877 = arith.addf %parallel_loop3A_875, %add3A_451 : vector<16xf32>
        %parallel_loop3A_878 = arith.mulf %mul3A_460, %parallel_loop3A_865 : vector<16xf32>
        %parallel_loop3A_879 = arith.addf %parallel_loop3A_878, %parallel_loop3A_871 : vector<16xf32>
        %parallel_loop3A_880 = arith.mulf %mul3A_463, %parallel_loop3A_868 : vector<16xf32>
        %parallel_loop3A_881 = arith.addf %parallel_loop3A_880, %parallel_loop3A_879 : vector<16xf32>
        %parallel_loop3A_882 = arith.minimumf %parallel_loop3A_858, %parallel_loop3A_881 : vector<16xf32>
        %parallel_loop3A_883 = arith.addf %parallel_loop3A_881, %add3A_466 : vector<16xf32>
        %parallel_loop3A_884 = arith.mulf %mul3A_475, %parallel_loop3A_865 : vector<16xf32>
        %parallel_loop3A_885 = arith.addf %parallel_loop3A_884, %parallel_loop3A_871 : vector<16xf32>
        %parallel_loop3A_886 = arith.mulf %mul3A_478, %parallel_loop3A_868 : vector<16xf32>
        %parallel_loop3A_887 = arith.addf %parallel_loop3A_886, %parallel_loop3A_885 : vector<16xf32>
        %parallel_loop3A_888 = arith.minimumf %parallel_loop3A_859, %parallel_loop3A_887 : vector<16xf32>
        %parallel_loop3A_889 = arith.addf %parallel_loop3A_887, %add3A_481 : vector<16xf32>
        %parallel_loop3A_890 = arith.mulf %mul3A_490, %parallel_loop3A_865 : vector<16xf32>
        %parallel_loop3A_891 = arith.addf %parallel_loop3A_890, %parallel_loop3A_871 : vector<16xf32>
        %parallel_loop3A_892 = arith.mulf %mul3A_493, %parallel_loop3A_868 : vector<16xf32>
        %parallel_loop3A_893 = arith.addf %parallel_loop3A_892, %parallel_loop3A_891 : vector<16xf32>
        %parallel_loop3A_894 = arith.minimumf %parallel_loop3A_860, %parallel_loop3A_893 : vector<16xf32>
        %parallel_loop3A_895 = arith.addf %parallel_loop3A_893, %add3A_496 : vector<16xf32>
        %parallel_loop3A_896 = arith.minimumf %parallel_loop3A_877, %parallel_loop3A_883 : vector<16xf32>
        %parallel_loop3A_897 = arith.minimumf %parallel_loop3A_889, %parallel_loop3A_895 : vector<16xf32>
        %parallel_loop3A_898 = arith.minimumf %parallel_loop3A_896, %parallel_loop3A_897 : vector<16xf32>
        %parallel_loop3A_899 = arith.index_cast %parallel_loop3A_862 : i32 to index
        %parallel_loop3A_900 = tpu.vector_load %arg12[%parallel_loop3A_899] {strides = array<i32>} : memref<8192xf32, #tpu.memory_space<vmem>>, vector<16xf32>,
        %parallel_loop3A_901 = vector.shape_cast %parallel_loop3A_900 : vector<16xf32> to vector<16xf32>
        %parallel_loop3A_902 = arith.minimumf %parallel_loop3A_901, %parallel_loop3A_898 : vector<16xf32>
        %parallel_loop3A_903 = arith.index_cast %parallel_loop3A_862 : i32 to index
        %parallel_loop3A_904 = tpu.vector_load %arg12[%parallel_loop3A_903] {strides = array<i32>} : memref<8192xf32, #tpu.memory_space<vmem>>, vector<16xf32>,
        %parallel_loop3A_905 = vector.shape_cast %parallel_loop3A_904 : vector<16xf32> to vector<16xf32>
        %parallel_loop3A_906 = vector.shape_cast %parallel_loop3A_902 : vector<16xf32> to vector<16xf32>
        tpu.vector_store %arg12[%parallel_loop3A_903], %parallel_loop3A_906 {strides = array<i32>} : memref<8192xf32, #tpu.memory_space<vmem>>, vector<16xf32>,
        scf.yield %parallel_loop3A_876, %parallel_loop3A_882, %parallel_loop3A_888, %parallel_loop3A_894 : vector<16xf32>, vector<16xf32>, vector<16xf32>, vector<16xf32>
      } {sc.loop_unroll_factor = 8 : i64, sc.parallel_access}
      %iota3A_509 = tpu.iota {dimensions = array<i32: 0>} : vector<16xi32>
      %xor3A_510 = arith.constant 8 : i32
      %xor3A_511 = vector.broadcast %xor3A_510 : i32 to vector<16xi32>
      %xor3A_512 = arith.xori %iota3A_509, %xor3A_511 : vector<16xi32>
      %broadcast_in_dim3A_513 = vector.shape_cast %xor3A_512 : vector<16xi32> to vector<16x1xi32>
      %gather3A_514 = vector.shape_cast %broadcast_in_dim3A_513 : vector<16x1xi32> to vector<16xi32>
      %gather3A_515 = tpu.dynamic_gather %parallel_loop3A_508#0[%gather3A_514] in [0] : vector<16xf32>, vector<16xi32> -> vector<16xf32>
      %min3A_516 = arith.minimumf %parallel_loop3A_508#0, %gather3A_515 : vector<16xf32>
      %xor3A_517 = arith.constant 4 : i32
      %xor3A_518 = vector.broadcast %xor3A_517 : i32 to vector<16xi32>
      %xor3A_519 = arith.xori %iota3A_509, %xor3A_518 : vector<16xi32>
      %broadcast_in_dim3A_520 = vector.shape_cast %xor3A_519 : vector<16xi32> to vector<16x1xi32>
      %gather3A_521 = vector.shape_cast %broadcast_in_dim3A_520 : vector<16x1xi32> to vector<16xi32>
      %gather3A_522 = tpu.dynamic_gather %min3A_516[%gather3A_521] in [0] : vector<16xf32>, vector<16xi32> -> vector<16xf32>
      %min3A_523 = arith.minimumf %min3A_516, %gather3A_522 : vector<16xf32>
      %xor3A_524 = arith.constant 2 : i32
      %xor3A_525 = vector.broadcast %xor3A_524 : i32 to vector<16xi32>
      %xor3A_526 = arith.xori %iota3A_509, %xor3A_525 : vector<16xi32>
      %broadcast_in_dim3A_527 = vector.shape_cast %xor3A_526 : vector<16xi32> to vector<16x1xi32>
      %gather3A_528 = vector.shape_cast %broadcast_in_dim3A_527 : vector<16x1xi32> to vector<16xi32>
      %gather3A_529 = tpu.dynamic_gather %min3A_523[%gather3A_528] in [0] : vector<16xf32>, vector<16xi32> -> vector<16xf32>
      %min3A_530 = arith.minimumf %min3A_523, %gather3A_529 : vector<16xf32>
      %xor3A_531 = arith.constant 1 : i32
      %xor3A_532 = vector.broadcast %xor3A_531 : i32 to vector<16xi32>
      %xor3A_533 = arith.xori %iota3A_509, %xor3A_532 : vector<16xi32>
      %broadcast_in_dim3A_534 = vector.shape_cast %xor3A_533 : vector<16xi32> to vector<16x1xi32>
      %gather3A_535 = vector.shape_cast %broadcast_in_dim3A_534 : vector<16x1xi32> to vector<16xi32>
      %gather3A_536 = tpu.dynamic_gather %min3A_530[%gather3A_535] in [0] : vector<16xf32>, vector<16xi32> -> vector<16xf32>
      %min3A_537 = arith.minimumf %min3A_530, %gather3A_536 : vector<16xf32>
      %add3A_538 = arith.addf %min3A_537, %add3A_451 : vector<16xf32>
      %eq3A_539 = arith.constant 8 : i32
      %eq3A_540 = vector.broadcast %eq3A_539 : i32 to vector<16xi32>
      %eq3A_541 = arith.cmpi eq, %iota3A, %eq3A_540 : vector<16xi32>
      %select_n3A_542 = arith.select %eq3A_541, %add3A_538, %select_n3A_436 : vector<16xi1>, vector<16xf32>
      %iota3A_543 = tpu.iota {dimensions = array<i32: 0>} : vector<16xi32>
      %xor3A_544 = arith.constant 8 : i32
      %xor3A_545 = vector.broadcast %xor3A_544 : i32 to vector<16xi32>
      %xor3A_546 = arith.xori %iota3A_543, %xor3A_545 : vector<16xi32>
      %broadcast_in_dim3A_547 = vector.shape_cast %xor3A_546 : vector<16xi32> to vector<16x1xi32>
      %gather3A_548 = vector.shape_cast %broadcast_in_dim3A_547 : vector<16x1xi32> to vector<16xi32>
      %gather3A_549 = tpu.dynamic_gather %parallel_loop3A_508#1[%gather3A_548] in [0] : vector<16xf32>, vector<16xi32> -> vector<16xf32>
      %min3A_550 = arith.minimumf %parallel_loop3A_508#1, %gather3A_549 : vector<16xf32>
      %xor3A_551 = arith.constant 4 : i32
      %xor3A_552 = vector.broadcast %xor3A_551 : i32 to vector<16xi32>
      %xor3A_553 = arith.xori %iota3A_543, %xor3A_552 : vector<16xi32>
      %broadcast_in_dim3A_554 = vector.shape_cast %xor3A_553 : vector<16xi32> to vector<16x1xi32>
      %gather3A_555 = vector.shape_cast %broadcast_in_dim3A_554 : vector<16x1xi32> to vector<16xi32>
      %gather3A_556 = tpu.dynamic_gather %min3A_550[%gather3A_555] in [0] : vector<16xf32>, vector<16xi32> -> vector<16xf32>
      %min3A_557 = arith.minimumf %min3A_550, %gather3A_556 : vector<16xf32>
      %xor3A_558 = arith.constant 2 : i32
      %xor3A_559 = vector.broadcast %xor3A_558 : i32 to vector<16xi32>
      %xor3A_560 = arith.xori %iota3A_543, %xor3A_559 : vector<16xi32>
      %broadcast_in_dim3A_561 = vector.shape_cast %xor3A_560 : vector<16xi32> to vector<16x1xi32>
      %gather3A_562 = vector.shape_cast %broadcast_in_dim3A_561 : vector<16x1xi32> to vector<16xi32>
      %gather3A_563 = tpu.dynamic_gather %min3A_557[%gather3A_562] in [0] : vector<16xf32>, vector<16xi32> -> vector<16xf32>
      %min3A_564 = arith.minimumf %min3A_557, %gather3A_563 : vector<16xf32>
      %xor3A_565 = arith.constant 1 : i32
      %xor3A_566 = vector.broadcast %xor3A_565 : i32 to vector<16xi32>
      %xor3A_567 = arith.xori %iota3A_543, %xor3A_566 : vector<16xi32>
      %broadcast_in_dim3A_568 = vector.shape_cast %xor3A_567 : vector<16xi32> to vector<16x1xi32>
      %gather3A_569 = vector.shape_cast %broadcast_in_dim3A_568 : vector<16x1xi32> to vector<16xi32>
      %gather3A_570 = tpu.dynamic_gather %min3A_564[%gather3A_569] in [0] : vector<16xf32>, vector<16xi32> -> vector<16xf32>
      %min3A_571 = arith.minimumf %min3A_564, %gather3A_570 : vector<16xf32>
      %add3A_572 = arith.addf %min3A_571, %add3A_466 : vector<16xf32>
      %eq3A_573 = arith.constant 9 : i32
      %eq3A_574 = vector.broadcast %eq3A_573 : i32 to vector<16xi32>
      %eq3A_575 = arith.cmpi eq, %iota3A, %eq3A_574 : vector<16xi32>
      %select_n3A_576 = arith.select %eq3A_575, %add3A_572, %select_n3A_542 : vector<16xi1>, vector<16xf32>
      %iota3A_577 = tpu.iota {dimensions = array<i32: 0>} : vector<16xi32>
      %xor3A_578 = arith.constant 8 : i32
      %xor3A_579 = vector.broadcast %xor3A_578 : i32 to vector<16xi32>
      %xor3A_580 = arith.xori %iota3A_577, %xor3A_579 : vector<16xi32>
      %broadcast_in_dim3A_581 = vector.shape_cast %xor3A_580 : vector<16xi32> to vector<16x1xi32>
      %gather3A_582 = vector.shape_cast %broadcast_in_dim3A_581 : vector<16x1xi32> to vector<16xi32>
      %gather3A_583 = tpu.dynamic_gather %parallel_loop3A_508#2[%gather3A_582] in [0] : vector<16xf32>, vector<16xi32> -> vector<16xf32>
      %min3A_584 = arith.minimumf %parallel_loop3A_508#2, %gather3A_583 : vector<16xf32>
      %xor3A_585 = arith.constant 4 : i32
      %xor3A_586 = vector.broadcast %xor3A_585 : i32 to vector<16xi32>
      %xor3A_587 = arith.xori %iota3A_577, %xor3A_586 : vector<16xi32>
      %broadcast_in_dim3A_588 = vector.shape_cast %xor3A_587 : vector<16xi32> to vector<16x1xi32>
      %gather3A_589 = vector.shape_cast %broadcast_in_dim3A_588 : vector<16x1xi32> to vector<16xi32>
      %gather3A_590 = tpu.dynamic_gather %min3A_584[%gather3A_589] in [0] : vector<16xf32>, vector<16xi32> -> vector<16xf32>
      %min3A_591 = arith.minimumf %min3A_584, %gather3A_590 : vector<16xf32>
      %xor3A_592 = arith.constant 2 : i32
      %xor3A_593 = vector.broadcast %xor3A_592 : i32 to vector<16xi32>
      %xor3A_594 = arith.xori %iota3A_577, %xor3A_593 : vector<16xi32>
      %broadcast_in_dim3A_595 = vector.shape_cast %xor3A_594 : vector<16xi32> to vector<16x1xi32>
      %gather3A_596 = vector.shape_cast %broadcast_in_dim3A_595 : vector<16x1xi32> to vector<16xi32>
      %gather3A_597 = tpu.dynamic_gather %min3A_591[%gather3A_596] in [0] : vector<16xf32>, vector<16xi32> -> vector<16xf32>
      %min3A_598 = arith.minimumf %min3A_591, %gather3A_597 : vector<16xf32>
      %xor3A_599 = arith.constant 1 : i32
      %xor3A_600 = vector.broadcast %xor3A_599 : i32 to vector<16xi32>
      %xor3A_601 = arith.xori %iota3A_577, %xor3A_600 : vector<16xi32>
      %broadcast_in_dim3A_602 = vector.shape_cast %xor3A_601 : vector<16xi32> to vector<16x1xi32>
      %gather3A_603 = vector.shape_cast %broadcast_in_dim3A_602 : vector<16x1xi32> to vector<16xi32>
      %gather3A_604 = tpu.dynamic_gather %min3A_598[%gather3A_603] in [0] : vector<16xf32>, vector<16xi32> -> vector<16xf32>
      %min3A_605 = arith.minimumf %min3A_598, %gather3A_604 : vector<16xf32>
      %add3A_606 = arith.addf %min3A_605, %add3A_481 : vector<16xf32>
      %eq3A_607 = arith.constant 10 : i32
      %eq3A_608 = vector.broadcast %eq3A_607 : i32 to vector<16xi32>
      %eq3A_609 = arith.cmpi eq, %iota3A, %eq3A_608 : vector<16xi32>
      %select_n3A_610 = arith.select %eq3A_609, %add3A_606, %select_n3A_576 : vector<16xi1>, vector<16xf32>
      %iota3A_611 = tpu.iota {dimensions = array<i32: 0>} : vector<16xi32>
      %xor3A_612 = arith.constant 8 : i32
      %xor3A_613 = vector.broadcast %xor3A_612 : i32 to vector<16xi32>
      %xor3A_614 = arith.xori %iota3A_611, %xor3A_613 : vector<16xi32>
      %broadcast_in_dim3A_615 = vector.shape_cast %xor3A_614 : vector<16xi32> to vector<16x1xi32>
      %gather3A_616 = vector.shape_cast %broadcast_in_dim3A_615 : vector<16x1xi32> to vector<16xi32>
      %gather3A_617 = tpu.dynamic_gather %parallel_loop3A_508#3[%gather3A_616] in [0] : vector<16xf32>, vector<16xi32> -> vector<16xf32>
      %min3A_618 = arith.minimumf %parallel_loop3A_508#3, %gather3A_617 : vector<16xf32>
      %xor3A_619 = arith.constant 4 : i32
      %xor3A_620 = vector.broadcast %xor3A_619 : i32 to vector<16xi32>
      %xor3A_621 = arith.xori %iota3A_611, %xor3A_620 : vector<16xi32>
      %broadcast_in_dim3A_622 = vector.shape_cast %xor3A_621 : vector<16xi32> to vector<16x1xi32>
      %gather3A_623 = vector.shape_cast %broadcast_in_dim3A_622 : vector<16x1xi32> to vector<16xi32>
      %gather3A_624 = tpu.dynamic_gather %min3A_618[%gather3A_623] in [0] : vector<16xf32>, vector<16xi32> -> vector<16xf32>
      %min3A_625 = arith.minimumf %min3A_618, %gather3A_624 : vector<16xf32>
      %xor3A_626 = arith.constant 2 : i32
      %xor3A_627 = vector.broadcast %xor3A_626 : i32 to vector<16xi32>
      %xor3A_628 = arith.xori %iota3A_611, %xor3A_627 : vector<16xi32>
      %broadcast_in_dim3A_629 = vector.shape_cast %xor3A_628 : vector<16xi32> to vector<16x1xi32>
      %gather3A_630 = vector.shape_cast %broadcast_in_dim3A_629 : vector<16x1xi32> to vector<16xi32>
      %gather3A_631 = tpu.dynamic_gather %min3A_625[%gather3A_630] in [0] : vector<16xf32>, vector<16xi32> -> vector<16xf32>
      %min3A_632 = arith.minimumf %min3A_625, %gather3A_631 : vector<16xf32>
      %xor3A_633 = arith.constant 1 : i32
      %xor3A_634 = vector.broadcast %xor3A_633 : i32 to vector<16xi32>
      %xor3A_635 = arith.xori %iota3A_611, %xor3A_634 : vector<16xi32>
      %broadcast_in_dim3A_636 = vector.shape_cast %xor3A_635 : vector<16xi32> to vector<16x1xi32>
      %gather3A_637 = vector.shape_cast %broadcast_in_dim3A_636 : vector<16x1xi32> to vector<16xi32>
      %gather3A_638 = tpu.dynamic_gather %min3A_632[%gather3A_637] in [0] : vector<16xf32>, vector<16xi32> -> vector<16xf32>
      %min3A_639 = arith.minimumf %min3A_632, %gather3A_638 : vector<16xf32>
      %add3A_640 = arith.addf %min3A_639, %add3A_496 : vector<16xf32>
      %eq3A_641 = arith.constant 11 : i32
      %eq3A_642 = vector.broadcast %eq3A_641 : i32 to vector<16xi32>
      %eq3A_643 = arith.cmpi eq, %iota3A, %eq3A_642 : vector<16xi32>
      %select_n3A_644 = arith.select %eq3A_643, %add3A_640, %select_n3A_610 : vector<16xi1>, vector<16xf32>
      %slice3A_645 = vector.extract_strided_slice %get3A_24 {offsets = [12], sizes = [1], strides = [1]} : vector<16xf32> to vector<1xf32>
      %squeeze3A_646 = vector.extract %slice3A_645[0] : f32 from vector<1xf32>
      %broadcast_in_dim3A_647 = vector.broadcast %squeeze3A_646 : f32 to vector<16xf32>
      %slice3A_648 = vector.extract_strided_slice %get3A_27 {offsets = [12], sizes = [1], strides = [1]} : vector<16xf32> to vector<1xf32>
      %squeeze3A_649 = vector.extract %slice3A_648[0] : f32 from vector<1xf32>
      %broadcast_in_dim3A_650 = vector.broadcast %squeeze3A_649 : f32 to vector<16xf32>
      %mul3A_651 = arith.constant -2.000000e+00 : f32
      %mul3A_652 = vector.broadcast %mul3A_651 : f32 to vector<16xf32>
      %mul3A_653 = arith.mulf %broadcast_in_dim3A_647, %mul3A_652 : vector<16xf32>
      %mul3A_654 = arith.constant -2.000000e+00 : f32
      %mul3A_655 = vector.broadcast %mul3A_654 : f32 to vector<16xf32>
      %mul3A_656 = arith.mulf %broadcast_in_dim3A_650, %mul3A_655 : vector<16xf32>
      %mul3A_657 = arith.mulf %broadcast_in_dim3A_647, %broadcast_in_dim3A_647 : vector<16xf32>
      %mul3A_658 = arith.mulf %broadcast_in_dim3A_650, %broadcast_in_dim3A_650 : vector<16xf32>
      %add3A_659 = arith.addf %mul3A_657, %mul3A_658 : vector<16xf32>
      %slice3A_660 = vector.extract_strided_slice %get3A_24 {offsets = [13], sizes = [1], strides = [1]} : vector<16xf32> to vector<1xf32>
      %squeeze3A_661 = vector.extract %slice3A_660[0] : f32 from vector<1xf32>
      %broadcast_in_dim3A_662 = vector.broadcast %squeeze3A_661 : f32 to vector<16xf32>
      %slice3A_663 = vector.extract_strided_slice %get3A_27 {offsets = [13], sizes = [1], strides = [1]} : vector<16xf32> to vector<1xf32>
      %squeeze3A_664 = vector.extract %slice3A_663[0] : f32 from vector<1xf32>
      %broadcast_in_dim3A_665 = vector.broadcast %squeeze3A_664 : f32 to vector<16xf32>
      %mul3A_666 = arith.constant -2.000000e+00 : f32
      %mul3A_667 = vector.broadcast %mul3A_666 : f32 to vector<16xf32>
      %mul3A_668 = arith.mulf %broadcast_in_dim3A_662, %mul3A_667 : vector<16xf32>
      %mul3A_669 = arith.constant -2.000000e+00 : f32
      %mul3A_670 = vector.broadcast %mul3A_669 : f32 to vector<16xf32>
      %mul3A_671 = arith.mulf %broadcast_in_dim3A_665, %mul3A_670 : vector<16xf32>
      %mul3A_672 = arith.mulf %broadcast_in_dim3A_662, %broadcast_in_dim3A_662 : vector<16xf32>
      %mul3A_673 = arith.mulf %broadcast_in_dim3A_665, %broadcast_in_dim3A_665 : vector<16xf32>
      %add3A_674 = arith.addf %mul3A_672, %mul3A_673 : vector<16xf32>
      %slice3A_675 = vector.extract_strided_slice %get3A_24 {offsets = [14], sizes = [1], strides = [1]} : vector<16xf32> to vector<1xf32>
      %squeeze3A_676 = vector.extract %slice3A_675[0] : f32 from vector<1xf32>
      %broadcast_in_dim3A_677 = vector.broadcast %squeeze3A_676 : f32 to vector<16xf32>
      %slice3A_678 = vector.extract_strided_slice %get3A_27 {offsets = [14], sizes = [1], strides = [1]} : vector<16xf32> to vector<1xf32>
      %squeeze3A_679 = vector.extract %slice3A_678[0] : f32 from vector<1xf32>
      %broadcast_in_dim3A_680 = vector.broadcast %squeeze3A_679 : f32 to vector<16xf32>
      %mul3A_681 = arith.constant -2.000000e+00 : f32
      %mul3A_682 = vector.broadcast %mul3A_681 : f32 to vector<16xf32>
      %mul3A_683 = arith.mulf %broadcast_in_dim3A_677, %mul3A_682 : vector<16xf32>
      %mul3A_684 = arith.constant -2.000000e+00 : f32
      %mul3A_685 = vector.broadcast %mul3A_684 : f32 to vector<16xf32>
      %mul3A_686 = arith.mulf %broadcast_in_dim3A_680, %mul3A_685 : vector<16xf32>
      %mul3A_687 = arith.mulf %broadcast_in_dim3A_677, %broadcast_in_dim3A_677 : vector<16xf32>
      %mul3A_688 = arith.mulf %broadcast_in_dim3A_680, %broadcast_in_dim3A_680 : vector<16xf32>
      %add3A_689 = arith.addf %mul3A_687, %mul3A_688 : vector<16xf32>
      %slice3A_690 = vector.extract_strided_slice %get3A_24 {offsets = [15], sizes = [1], strides = [1]} : vector<16xf32> to vector<1xf32>
      %squeeze3A_691 = vector.extract %slice3A_690[0] : f32 from vector<1xf32>
      %broadcast_in_dim3A_692 = vector.broadcast %squeeze3A_691 : f32 to vector<16xf32>
      %slice3A_693 = vector.extract_strided_slice %get3A_27 {offsets = [15], sizes = [1], strides = [1]} : vector<16xf32> to vector<1xf32>
      %squeeze3A_694 = vector.extract %slice3A_693[0] : f32 from vector<1xf32>
      %broadcast_in_dim3A_695 = vector.broadcast %squeeze3A_694 : f32 to vector<16xf32>
      %mul3A_696 = arith.constant -2.000000e+00 : f32
      %mul3A_697 = vector.broadcast %mul3A_696 : f32 to vector<16xf32>
      %mul3A_698 = arith.mulf %broadcast_in_dim3A_692, %mul3A_697 : vector<16xf32>
      %mul3A_699 = arith.constant -2.000000e+00 : f32
      %mul3A_700 = vector.broadcast %mul3A_699 : f32 to vector<16xf32>
      %mul3A_701 = arith.mulf %broadcast_in_dim3A_695, %mul3A_700 : vector<16xf32>
      %mul3A_702 = arith.mulf %broadcast_in_dim3A_692, %broadcast_in_dim3A_692 : vector<16xf32>
      %mul3A_703 = arith.mulf %broadcast_in_dim3A_695, %broadcast_in_dim3A_695 : vector<16xf32>
      %add3A_704 = arith.addf %mul3A_702, %mul3A_703 : vector<16xf32>
      %broadcast_in_dim3A_705 = arith.constant 3.000000e+38 : f32
      %broadcast_in_dim3A_706 = vector.broadcast %broadcast_in_dim3A_705 : f32 to vector<16xf32>
      %broadcast_in_dim3A_707 = arith.constant 3.000000e+38 : f32
      %broadcast_in_dim3A_708 = vector.broadcast %broadcast_in_dim3A_707 : f32 to vector<16xf32>
      %broadcast_in_dim3A_709 = arith.constant 3.000000e+38 : f32
      %broadcast_in_dim3A_710 = vector.broadcast %broadcast_in_dim3A_709 : f32 to vector<16xf32>
      %broadcast_in_dim3A_711 = arith.constant 3.000000e+38 : f32
      %broadcast_in_dim3A_712 = vector.broadcast %broadcast_in_dim3A_711 : f32 to vector<16xf32>
      %parallel_loop3A_713 = arith.constant 0 : i32
      %parallel_loop3A_714 = arith.constant 512 : i32
      %parallel_loop3A_715 = arith.constant 1 : i32
      %parallel_loop3A_716:4 = scf.for %parallel_loop3A_856 = %parallel_loop3A_713 to %parallel_loop3A_714 step %parallel_loop3A_715 iter_args(%parallel_loop3A_857 = %broadcast_in_dim3A_706, %parallel_loop3A_858 = %broadcast_in_dim3A_708, %parallel_loop3A_859 = %broadcast_in_dim3A_710, %parallel_loop3A_860 = %broadcast_in_dim3A_712) -> (vector<16xf32>, vector<16xf32>, vector<16xf32>, vector<16xf32>)  : i32 {
        %parallel_loop3A_861 = arith.constant 16 : i32
        %parallel_loop3A_862 = arith.muli %parallel_loop3A_856, %parallel_loop3A_861 : i32
        %parallel_loop3A_863 = arith.index_cast %parallel_loop3A_862 : i32 to index
        %parallel_loop3A_864 = tpu.vector_load %arg9[%parallel_loop3A_863] {strides = array<i32>} : memref<8192xf32, #tpu.memory_space<vmem>>, vector<16xf32>,
        %parallel_loop3A_865 = vector.shape_cast %parallel_loop3A_864 : vector<16xf32> to vector<16xf32>
        %parallel_loop3A_866 = arith.index_cast %parallel_loop3A_862 : i32 to index
        %parallel_loop3A_867 = tpu.vector_load %arg10[%parallel_loop3A_866] {strides = array<i32>} : memref<8192xf32, #tpu.memory_space<vmem>>, vector<16xf32>,
        %parallel_loop3A_868 = vector.shape_cast %parallel_loop3A_867 : vector<16xf32> to vector<16xf32>
        %parallel_loop3A_869 = arith.index_cast %parallel_loop3A_862 : i32 to index
        %parallel_loop3A_870 = tpu.vector_load %arg11[%parallel_loop3A_869] {strides = array<i32>} : memref<8192xf32, #tpu.memory_space<vmem>>, vector<16xf32>,
        %parallel_loop3A_871 = vector.shape_cast %parallel_loop3A_870 : vector<16xf32> to vector<16xf32>
        %parallel_loop3A_872 = arith.mulf %mul3A_653, %parallel_loop3A_865 : vector<16xf32>
        %parallel_loop3A_873 = arith.addf %parallel_loop3A_872, %parallel_loop3A_871 : vector<16xf32>
        %parallel_loop3A_874 = arith.mulf %mul3A_656, %parallel_loop3A_868 : vector<16xf32>
        %parallel_loop3A_875 = arith.addf %parallel_loop3A_874, %parallel_loop3A_873 : vector<16xf32>
        %parallel_loop3A_876 = arith.minimumf %parallel_loop3A_857, %parallel_loop3A_875 : vector<16xf32>
        %parallel_loop3A_877 = arith.addf %parallel_loop3A_875, %add3A_659 : vector<16xf32>
        %parallel_loop3A_878 = arith.mulf %mul3A_668, %parallel_loop3A_865 : vector<16xf32>
        %parallel_loop3A_879 = arith.addf %parallel_loop3A_878, %parallel_loop3A_871 : vector<16xf32>
        %parallel_loop3A_880 = arith.mulf %mul3A_671, %parallel_loop3A_868 : vector<16xf32>
        %parallel_loop3A_881 = arith.addf %parallel_loop3A_880, %parallel_loop3A_879 : vector<16xf32>
        %parallel_loop3A_882 = arith.minimumf %parallel_loop3A_858, %parallel_loop3A_881 : vector<16xf32>
        %parallel_loop3A_883 = arith.addf %parallel_loop3A_881, %add3A_674 : vector<16xf32>
        %parallel_loop3A_884 = arith.mulf %mul3A_683, %parallel_loop3A_865 : vector<16xf32>
        %parallel_loop3A_885 = arith.addf %parallel_loop3A_884, %parallel_loop3A_871 : vector<16xf32>
        %parallel_loop3A_886 = arith.mulf %mul3A_686, %parallel_loop3A_868 : vector<16xf32>
        %parallel_loop3A_887 = arith.addf %parallel_loop3A_886, %parallel_loop3A_885 : vector<16xf32>
        %parallel_loop3A_888 = arith.minimumf %parallel_loop3A_859, %parallel_loop3A_887 : vector<16xf32>
        %parallel_loop3A_889 = arith.addf %parallel_loop3A_887, %add3A_689 : vector<16xf32>
        %parallel_loop3A_890 = arith.mulf %mul3A_698, %parallel_loop3A_865 : vector<16xf32>
        %parallel_loop3A_891 = arith.addf %parallel_loop3A_890, %parallel_loop3A_871 : vector<16xf32>
        %parallel_loop3A_892 = arith.mulf %mul3A_701, %parallel_loop3A_868 : vector<16xf32>
        %parallel_loop3A_893 = arith.addf %parallel_loop3A_892, %parallel_loop3A_891 : vector<16xf32>
        %parallel_loop3A_894 = arith.minimumf %parallel_loop3A_860, %parallel_loop3A_893 : vector<16xf32>
        %parallel_loop3A_895 = arith.addf %parallel_loop3A_893, %add3A_704 : vector<16xf32>
        %parallel_loop3A_896 = arith.minimumf %parallel_loop3A_877, %parallel_loop3A_883 : vector<16xf32>
        %parallel_loop3A_897 = arith.minimumf %parallel_loop3A_889, %parallel_loop3A_895 : vector<16xf32>
        %parallel_loop3A_898 = arith.minimumf %parallel_loop3A_896, %parallel_loop3A_897 : vector<16xf32>
        %parallel_loop3A_899 = arith.index_cast %parallel_loop3A_862 : i32 to index
        %parallel_loop3A_900 = tpu.vector_load %arg12[%parallel_loop3A_899] {strides = array<i32>} : memref<8192xf32, #tpu.memory_space<vmem>>, vector<16xf32>,
        %parallel_loop3A_901 = vector.shape_cast %parallel_loop3A_900 : vector<16xf32> to vector<16xf32>
        %parallel_loop3A_902 = arith.minimumf %parallel_loop3A_901, %parallel_loop3A_898 : vector<16xf32>
        %parallel_loop3A_903 = arith.index_cast %parallel_loop3A_862 : i32 to index
        %parallel_loop3A_904 = tpu.vector_load %arg12[%parallel_loop3A_903] {strides = array<i32>} : memref<8192xf32, #tpu.memory_space<vmem>>, vector<16xf32>,
        %parallel_loop3A_905 = vector.shape_cast %parallel_loop3A_904 : vector<16xf32> to vector<16xf32>
        %parallel_loop3A_906 = vector.shape_cast %parallel_loop3A_902 : vector<16xf32> to vector<16xf32>
        tpu.vector_store %arg12[%parallel_loop3A_903], %parallel_loop3A_906 {strides = array<i32>} : memref<8192xf32, #tpu.memory_space<vmem>>, vector<16xf32>,
        scf.yield %parallel_loop3A_876, %parallel_loop3A_882, %parallel_loop3A_888, %parallel_loop3A_894 : vector<16xf32>, vector<16xf32>, vector<16xf32>, vector<16xf32>
      } {sc.loop_unroll_factor = 8 : i64, sc.parallel_access}
      %iota3A_717 = tpu.iota {dimensions = array<i32: 0>} : vector<16xi32>
      %xor3A_718 = arith.constant 8 : i32
      %xor3A_719 = vector.broadcast %xor3A_718 : i32 to vector<16xi32>
      %xor3A_720 = arith.xori %iota3A_717, %xor3A_719 : vector<16xi32>
      %broadcast_in_dim3A_721 = vector.shape_cast %xor3A_720 : vector<16xi32> to vector<16x1xi32>
      %gather3A_722 = vector.shape_cast %broadcast_in_dim3A_721 : vector<16x1xi32> to vector<16xi32>
      %gather3A_723 = tpu.dynamic_gather %parallel_loop3A_716#0[%gather3A_722] in [0] : vector<16xf32>, vector<16xi32> -> vector<16xf32>
      %min3A_724 = arith.minimumf %parallel_loop3A_716#0, %gather3A_723 : vector<16xf32>
      %xor3A_725 = arith.constant 4 : i32
      %xor3A_726 = vector.broadcast %xor3A_725 : i32 to vector<16xi32>
      %xor3A_727 = arith.xori %iota3A_717, %xor3A_726 : vector<16xi32>
      %broadcast_in_dim3A_728 = vector.shape_cast %xor3A_727 : vector<16xi32> to vector<16x1xi32>
      %gather3A_729 = vector.shape_cast %broadcast_in_dim3A_728 : vector<16x1xi32> to vector<16xi32>
      %gather3A_730 = tpu.dynamic_gather %min3A_724[%gather3A_729] in [0] : vector<16xf32>, vector<16xi32> -> vector<16xf32>
      %min3A_731 = arith.minimumf %min3A_724, %gather3A_730 : vector<16xf32>
      %xor3A_732 = arith.constant 2 : i32
      %xor3A_733 = vector.broadcast %xor3A_732 : i32 to vector<16xi32>
      %xor3A_734 = arith.xori %iota3A_717, %xor3A_733 : vector<16xi32>
      %broadcast_in_dim3A_735 = vector.shape_cast %xor3A_734 : vector<16xi32> to vector<16x1xi32>
      %gather3A_736 = vector.shape_cast %broadcast_in_dim3A_735 : vector<16x1xi32> to vector<16xi32>
      %gather3A_737 = tpu.dynamic_gather %min3A_731[%gather3A_736] in [0] : vector<16xf32>, vector<16xi32> -> vector<16xf32>
      %min3A_738 = arith.minimumf %min3A_731, %gather3A_737 : vector<16xf32>
      %xor3A_739 = arith.constant 1 : i32
      %xor3A_740 = vector.broadcast %xor3A_739 : i32 to vector<16xi32>
      %xor3A_741 = arith.xori %iota3A_717, %xor3A_740 : vector<16xi32>
      %broadcast_in_dim3A_742 = vector.shape_cast %xor3A_741 : vector<16xi32> to vector<16x1xi32>
      %gather3A_743 = vector.shape_cast %broadcast_in_dim3A_742 : vector<16x1xi32> to vector<16xi32>
      %gather3A_744 = tpu.dynamic_gather %min3A_738[%gather3A_743] in [0] : vector<16xf32>, vector<16xi32> -> vector<16xf32>
      %min3A_745 = arith.minimumf %min3A_738, %gather3A_744 : vector<16xf32>
      %add3A_746 = arith.addf %min3A_745, %add3A_659 : vector<16xf32>
      %eq3A_747 = arith.constant 12 : i32
      %eq3A_748 = vector.broadcast %eq3A_747 : i32 to vector<16xi32>
      %eq3A_749 = arith.cmpi eq, %iota3A, %eq3A_748 : vector<16xi32>
      %select_n3A_750 = arith.select %eq3A_749, %add3A_746, %select_n3A_644 : vector<16xi1>, vector<16xf32>
      %iota3A_751 = tpu.iota {dimensions = array<i32: 0>} : vector<16xi32>
      %xor3A_752 = arith.constant 8 : i32
      %xor3A_753 = vector.broadcast %xor3A_752 : i32 to vector<16xi32>
      %xor3A_754 = arith.xori %iota3A_751, %xor3A_753 : vector<16xi32>
      %broadcast_in_dim3A_755 = vector.shape_cast %xor3A_754 : vector<16xi32> to vector<16x1xi32>
      %gather3A_756 = vector.shape_cast %broadcast_in_dim3A_755 : vector<16x1xi32> to vector<16xi32>
      %gather3A_757 = tpu.dynamic_gather %parallel_loop3A_716#1[%gather3A_756] in [0] : vector<16xf32>, vector<16xi32> -> vector<16xf32>
      %min3A_758 = arith.minimumf %parallel_loop3A_716#1, %gather3A_757 : vector<16xf32>
      %xor3A_759 = arith.constant 4 : i32
      %xor3A_760 = vector.broadcast %xor3A_759 : i32 to vector<16xi32>
      %xor3A_761 = arith.xori %iota3A_751, %xor3A_760 : vector<16xi32>
      %broadcast_in_dim3A_762 = vector.shape_cast %xor3A_761 : vector<16xi32> to vector<16x1xi32>
      %gather3A_763 = vector.shape_cast %broadcast_in_dim3A_762 : vector<16x1xi32> to vector<16xi32>
      %gather3A_764 = tpu.dynamic_gather %min3A_758[%gather3A_763] in [0] : vector<16xf32>, vector<16xi32> -> vector<16xf32>
      %min3A_765 = arith.minimumf %min3A_758, %gather3A_764 : vector<16xf32>
      %xor3A_766 = arith.constant 2 : i32
      %xor3A_767 = vector.broadcast %xor3A_766 : i32 to vector<16xi32>
      %xor3A_768 = arith.xori %iota3A_751, %xor3A_767 : vector<16xi32>
      %broadcast_in_dim3A_769 = vector.shape_cast %xor3A_768 : vector<16xi32> to vector<16x1xi32>
      %gather3A_770 = vector.shape_cast %broadcast_in_dim3A_769 : vector<16x1xi32> to vector<16xi32>
      %gather3A_771 = tpu.dynamic_gather %min3A_765[%gather3A_770] in [0] : vector<16xf32>, vector<16xi32> -> vector<16xf32>
      %min3A_772 = arith.minimumf %min3A_765, %gather3A_771 : vector<16xf32>
      %xor3A_773 = arith.constant 1 : i32
      %xor3A_774 = vector.broadcast %xor3A_773 : i32 to vector<16xi32>
      %xor3A_775 = arith.xori %iota3A_751, %xor3A_774 : vector<16xi32>
      %broadcast_in_dim3A_776 = vector.shape_cast %xor3A_775 : vector<16xi32> to vector<16x1xi32>
      %gather3A_777 = vector.shape_cast %broadcast_in_dim3A_776 : vector<16x1xi32> to vector<16xi32>
      %gather3A_778 = tpu.dynamic_gather %min3A_772[%gather3A_777] in [0] : vector<16xf32>, vector<16xi32> -> vector<16xf32>
      %min3A_779 = arith.minimumf %min3A_772, %gather3A_778 : vector<16xf32>
      %add3A_780 = arith.addf %min3A_779, %add3A_674 : vector<16xf32>
      %eq3A_781 = arith.constant 13 : i32
      %eq3A_782 = vector.broadcast %eq3A_781 : i32 to vector<16xi32>
      %eq3A_783 = arith.cmpi eq, %iota3A, %eq3A_782 : vector<16xi32>
      %select_n3A_784 = arith.select %eq3A_783, %add3A_780, %select_n3A_750 : vector<16xi1>, vector<16xf32>
      %iota3A_785 = tpu.iota {dimensions = array<i32: 0>} : vector<16xi32>
      %xor3A_786 = arith.constant 8 : i32
      %xor3A_787 = vector.broadcast %xor3A_786 : i32 to vector<16xi32>
      %xor3A_788 = arith.xori %iota3A_785, %xor3A_787 : vector<16xi32>
      %broadcast_in_dim3A_789 = vector.shape_cast %xor3A_788 : vector<16xi32> to vector<16x1xi32>
      %gather3A_790 = vector.shape_cast %broadcast_in_dim3A_789 : vector<16x1xi32> to vector<16xi32>
      %gather3A_791 = tpu.dynamic_gather %parallel_loop3A_716#2[%gather3A_790] in [0] : vector<16xf32>, vector<16xi32> -> vector<16xf32>
      %min3A_792 = arith.minimumf %parallel_loop3A_716#2, %gather3A_791 : vector<16xf32>
      %xor3A_793 = arith.constant 4 : i32
      %xor3A_794 = vector.broadcast %xor3A_793 : i32 to vector<16xi32>
      %xor3A_795 = arith.xori %iota3A_785, %xor3A_794 : vector<16xi32>
      %broadcast_in_dim3A_796 = vector.shape_cast %xor3A_795 : vector<16xi32> to vector<16x1xi32>
      %gather3A_797 = vector.shape_cast %broadcast_in_dim3A_796 : vector<16x1xi32> to vector<16xi32>
      %gather3A_798 = tpu.dynamic_gather %min3A_792[%gather3A_797] in [0] : vector<16xf32>, vector<16xi32> -> vector<16xf32>
      %min3A_799 = arith.minimumf %min3A_792, %gather3A_798 : vector<16xf32>
      %xor3A_800 = arith.constant 2 : i32
      %xor3A_801 = vector.broadcast %xor3A_800 : i32 to vector<16xi32>
      %xor3A_802 = arith.xori %iota3A_785, %xor3A_801 : vector<16xi32>
      %broadcast_in_dim3A_803 = vector.shape_cast %xor3A_802 : vector<16xi32> to vector<16x1xi32>
      %gather3A_804 = vector.shape_cast %broadcast_in_dim3A_803 : vector<16x1xi32> to vector<16xi32>
      %gather3A_805 = tpu.dynamic_gather %min3A_799[%gather3A_804] in [0] : vector<16xf32>, vector<16xi32> -> vector<16xf32>
      %min3A_806 = arith.minimumf %min3A_799, %gather3A_805 : vector<16xf32>
      %xor3A_807 = arith.constant 1 : i32
      %xor3A_808 = vector.broadcast %xor3A_807 : i32 to vector<16xi32>
      %xor3A_809 = arith.xori %iota3A_785, %xor3A_808 : vector<16xi32>
      %broadcast_in_dim3A_810 = vector.shape_cast %xor3A_809 : vector<16xi32> to vector<16x1xi32>
      %gather3A_811 = vector.shape_cast %broadcast_in_dim3A_810 : vector<16x1xi32> to vector<16xi32>
      %gather3A_812 = tpu.dynamic_gather %min3A_806[%gather3A_811] in [0] : vector<16xf32>, vector<16xi32> -> vector<16xf32>
      %min3A_813 = arith.minimumf %min3A_806, %gather3A_812 : vector<16xf32>
      %add3A_814 = arith.addf %min3A_813, %add3A_689 : vector<16xf32>
      %eq3A_815 = arith.constant 14 : i32
      %eq3A_816 = vector.broadcast %eq3A_815 : i32 to vector<16xi32>
      %eq3A_817 = arith.cmpi eq, %iota3A, %eq3A_816 : vector<16xi32>
      %select_n3A_818 = arith.select %eq3A_817, %add3A_814, %select_n3A_784 : vector<16xi1>, vector<16xf32>
      %iota3A_819 = tpu.iota {dimensions = array<i32: 0>} : vector<16xi32>
      %xor3A_820 = arith.constant 8 : i32
      %xor3A_821 = vector.broadcast %xor3A_820 : i32 to vector<16xi32>
      %xor3A_822 = arith.xori %iota3A_819, %xor3A_821 : vector<16xi32>
      %broadcast_in_dim3A_823 = vector.shape_cast %xor3A_822 : vector<16xi32> to vector<16x1xi32>
      %gather3A_824 = vector.shape_cast %broadcast_in_dim3A_823 : vector<16x1xi32> to vector<16xi32>
      %gather3A_825 = tpu.dynamic_gather %parallel_loop3A_716#3[%gather3A_824] in [0] : vector<16xf32>, vector<16xi32> -> vector<16xf32>
      %min3A_826 = arith.minimumf %parallel_loop3A_716#3, %gather3A_825 : vector<16xf32>
      %xor3A_827 = arith.constant 4 : i32
      %xor3A_828 = vector.broadcast %xor3A_827 : i32 to vector<16xi32>
      %xor3A_829 = arith.xori %iota3A_819, %xor3A_828 : vector<16xi32>
      %broadcast_in_dim3A_830 = vector.shape_cast %xor3A_829 : vector<16xi32> to vector<16x1xi32>
      %gather3A_831 = vector.shape_cast %broadcast_in_dim3A_830 : vector<16x1xi32> to vector<16xi32>
      %gather3A_832 = tpu.dynamic_gather %min3A_826[%gather3A_831] in [0] : vector<16xf32>, vector<16xi32> -> vector<16xf32>
      %min3A_833 = arith.minimumf %min3A_826, %gather3A_832 : vector<16xf32>
      %xor3A_834 = arith.constant 2 : i32
      %xor3A_835 = vector.broadcast %xor3A_834 : i32 to vector<16xi32>
      %xor3A_836 = arith.xori %iota3A_819, %xor3A_835 : vector<16xi32>
      %broadcast_in_dim3A_837 = vector.shape_cast %xor3A_836 : vector<16xi32> to vector<16x1xi32>
      %gather3A_838 = vector.shape_cast %broadcast_in_dim3A_837 : vector<16x1xi32> to vector<16xi32>
      %gather3A_839 = tpu.dynamic_gather %min3A_833[%gather3A_838] in [0] : vector<16xf32>, vector<16xi32> -> vector<16xf32>
      %min3A_840 = arith.minimumf %min3A_833, %gather3A_839 : vector<16xf32>
      %xor3A_841 = arith.constant 1 : i32
      %xor3A_842 = vector.broadcast %xor3A_841 : i32 to vector<16xi32>
      %xor3A_843 = arith.xori %iota3A_819, %xor3A_842 : vector<16xi32>
      %broadcast_in_dim3A_844 = vector.shape_cast %xor3A_843 : vector<16xi32> to vector<16x1xi32>
      %gather3A_845 = vector.shape_cast %broadcast_in_dim3A_844 : vector<16x1xi32> to vector<16xi32>
      %gather3A_846 = tpu.dynamic_gather %min3A_840[%gather3A_845] in [0] : vector<16xf32>, vector<16xi32> -> vector<16xf32>
      %min3A_847 = arith.minimumf %min3A_840, %gather3A_846 : vector<16xf32>
      %add3A_848 = arith.addf %min3A_847, %add3A_704 : vector<16xf32>
      %eq3A_849 = arith.constant 15 : i32
      %eq3A_850 = vector.broadcast %eq3A_849 : i32 to vector<16xi32>
      %eq3A_851 = arith.cmpi eq, %iota3A, %eq3A_850 : vector<16xi32>
      %select_n3A_852 = arith.select %eq3A_851, %add3A_848, %select_n3A_818 : vector<16xi1>, vector<16xf32>
      %swap3A = arith.index_cast %mul3A_22 : i32 to index
      %swap3A_853 = tpu.vector_load %arg15[%swap3A] {strides = array<i32>} : memref<96xf32, #tpu.memory_space<vmem>>, vector<16xf32>,
      %swap3A_854 = vector.shape_cast %swap3A_853 : vector<16xf32> to vector<16xf32>
      %swap3A_855 = vector.shape_cast %select_n3A_852 : vector<16xf32> to vector<16xf32>
      tpu.vector_store %arg15[%swap3A], %swap3A_855 {strides = array<i32>} : memref<96xf32, #tpu.memory_space<vmem>>, vector<16xf32>,
    }
    %scan3A_19 = arith.constant 6 : i32
    "tpu.region"() ({
      %run_scoped3A = tpu.sem_alloc : memref<!tpu.dma_semaphore, #tpu.memory_space<semaphore_mem>>
      %dma_start3A = tpu.memref_slice %arg6[%mul3A_2] : memref<3072xf32, #tpu.memory_space<hbm>> -> memref<96xf32, #tpu.memory_space<hbm>>
      %dma_start3A_20 = tpu.memref_slice %arg6[%mul3A_2] : memref<3072xf32, #tpu.memory_space<hbm>> -> memref<96xf32, #tpu.memory_space<hbm>>
      tpu.enqueue_dma source(%arg15 : memref<96xf32, #tpu.memory_space<vmem>>) target(%dma_start3A_20 : memref<96xf32, #tpu.memory_space<hbm>>) target_semaphore(%run_scoped3A : memref<!tpu.dma_semaphore, #tpu.memory_space<semaphore_mem>>)
      %dma_wait3A = tpu.memref_slice %arg6[%mul3A_2] : memref<3072xf32, #tpu.memory_space<hbm>> -> memref<96xf32, #tpu.memory_space<hbm>>
      %dma_wait3A_21 = tpu.memref_slice %arg6[%mul3A_2] : memref<3072xf32, #tpu.memory_space<hbm>> -> memref<96xf32, #tpu.memory_space<hbm>>
      tpu.wait_dma2 semaphore(%run_scoped3A : memref<!tpu.dma_semaphore, #tpu.memory_space<semaphore_mem>>) src(%arg15 : memref<96xf32, #tpu.memory_space<vmem>>) dst(%dma_wait3A_21 : memref<96xf32, #tpu.memory_space<hbm>>)
      tpu.yield
    }) : () -> ()
    "tpu.region"() ({
      %run_scoped3A = tpu.sem_alloc : memref<!tpu.dma_semaphore, #tpu.memory_space<semaphore_mem>>
      %dma_start3A = tpu.memref_slice %arg7[%mul3A_2] : memref<3072xf32, #tpu.memory_space<hbm>> -> memref<96xf32, #tpu.memory_space<hbm>>
      %dma_start3A_20 = tpu.memref_slice %arg7[%mul3A_2] : memref<3072xf32, #tpu.memory_space<hbm>> -> memref<96xf32, #tpu.memory_space<hbm>>
      tpu.enqueue_dma source(%arg16 : memref<96xf32, #tpu.memory_space<vmem>>) target(%dma_start3A_20 : memref<96xf32, #tpu.memory_space<hbm>>) target_semaphore(%run_scoped3A : memref<!tpu.dma_semaphore, #tpu.memory_space<semaphore_mem>>)
      %dma_wait3A = tpu.memref_slice %arg7[%mul3A_2] : memref<3072xf32, #tpu.memory_space<hbm>> -> memref<96xf32, #tpu.memory_space<hbm>>
      %dma_wait3A_21 = tpu.memref_slice %arg7[%mul3A_2] : memref<3072xf32, #tpu.memory_space<hbm>> -> memref<96xf32, #tpu.memory_space<hbm>>
      tpu.wait_dma2 semaphore(%run_scoped3A : memref<!tpu.dma_semaphore, #tpu.memory_space<semaphore_mem>>) src(%arg16 : memref<96xf32, #tpu.memory_space<vmem>>) dst(%dma_wait3A_21 : memref<96xf32, #tpu.memory_space<hbm>>)
      tpu.yield
    }) : () -> ()
    "tpu.region"() ({
      %run_scoped3A = tpu.sem_alloc : memref<!tpu.dma_semaphore, #tpu.memory_space<semaphore_mem>>
      %dma_start3A = arith.constant 0 : i32
      %dma_start3A_20 = tpu.memref_slice %arg8[%add3A, %dma_start3A] : memref<32x8192xf32, #tpu.memory_space<hbm>> -> memref<1x8192xf32, #tpu.memory_space<hbm>>
      %dma_start3A_21 = tpu.memref_squeeze %dma_start3A_20 : memref<1x8192xf32, #tpu.memory_space<hbm>> -> memref<8192xf32, #tpu.memory_space<hbm>>
      %dma_start3A_22 = arith.constant 0 : i32
      %dma_start3A_23 = tpu.memref_slice %arg8[%add3A, %dma_start3A_22] : memref<32x8192xf32, #tpu.memory_space<hbm>> -> memref<1x8192xf32, #tpu.memory_space<hbm>>
      %dma_start3A_24 = tpu.memref_squeeze %dma_start3A_23 : memref<1x8192xf32, #tpu.memory_space<hbm>> -> memref<8192xf32, #tpu.memory_space<hbm>>
      tpu.enqueue_dma source(%arg12 : memref<8192xf32, #tpu.memory_space<vmem>>) target(%dma_start3A_24 : memref<8192xf32, #tpu.memory_space<hbm>>) target_semaphore(%run_scoped3A : memref<!tpu.dma_semaphore, #tpu.memory_space<semaphore_mem>>)
      %dma_wait3A = arith.constant 0 : i32
      %dma_wait3A_25 = tpu.memref_slice %arg8[%add3A, %dma_wait3A] : memref<32x8192xf32, #tpu.memory_space<hbm>> -> memref<1x8192xf32, #tpu.memory_space<hbm>>
      %dma_wait3A_26 = tpu.memref_squeeze %dma_wait3A_25 : memref<1x8192xf32, #tpu.memory_space<hbm>> -> memref<8192xf32, #tpu.memory_space<hbm>>
      %dma_wait3A_27 = arith.constant 0 : i32
      %dma_wait3A_28 = tpu.memref_slice %arg8[%add3A, %dma_wait3A_27] : memref<32x8192xf32, #tpu.memory_space<hbm>> -> memref<1x8192xf32, #tpu.memory_space<hbm>>
      %dma_wait3A_29 = tpu.memref_squeeze %dma_wait3A_28 : memref<1x8192xf32, #tpu.memory_space<hbm>> -> memref<8192xf32, #tpu.memory_space<hbm>>
      tpu.wait_dma2 semaphore(%run_scoped3A : memref<!tpu.dma_semaphore, #tpu.memory_space<semaphore_mem>>) src(%arg12 : memref<8192xf32, #tpu.memory_space<vmem>>) dst(%dma_wait3A_29 : memref<8192xf32, #tpu.memory_space<hbm>>)
      tpu.yield
    }) : () -> ()
    return
  }
}

module attributes {stable_mosaic.version = 14 : i64} {
  func.func @_tc_body(%arg0: i32, %arg1: i32, %arg2: memref<512x1xf32, #tpu.memory_space<vmem>>, %arg3: memref<512x1xf32, #tpu.memory_space<vmem>>, %arg4: memref<1x2048xf32, #tpu.memory_space<vmem>>, %arg5: memref<1x2048xf32, #tpu.memory_space<vmem>>, %arg6: memref<512x1xf32, #tpu.memory_space<vmem>>, %arg7: memref<512x1xf32, #tpu.memory_space<vmem>>, %arg8: memref<1x8192xf32, #tpu.memory_space<vmem>>, %arg9: memref<512x1xf32, #tpu.memory_space<vmem>>, %arg10: memref<1x8192xf32, #tpu.memory_space<vmem>>, %arg11: memref<512x1xf32, #tpu.memory_space<vmem>>, %arg12: memref<512x1xf32, #tpu.memory_space<vmem>>) attributes {dimension_semantics = [#tpu.dimension_semantics<arbitrary>, #tpu.dimension_semantics<arbitrary>], iteration_bounds = array<i64: 10, 4>, scalar_prefetch = 0 : i64, scratch_operands = 4 : i64, tpu.core_type = #tpu.core_type<tc>, window_params = [{transform_indices = @transform_0, window_bounds = array<i64: 512, 1>}, {transform_indices = @transform_1, window_bounds = array<i64: 512, 1>}, {transform_indices = @transform_2, window_bounds = array<i64: 1, 2048>}, {transform_indices = @transform_3, window_bounds = array<i64: 1, 2048>}, {transform_indices = @transform_4, window_bounds = array<i64: 512, 1>}, {transform_indices = @transform_5, window_bounds = array<i64: 512, 1>}, {pipeline_mode = #tpu.pipeline_mode<synchronous>, transform_indices = @transform_6, window_bounds = array<i64: 1, 8192>}]} {
    %get3A = arith.constant 0 : index
    %get3A_0 = arith.constant 0 : index
    %get3A_1 = vector.load %arg4[%get3A, %get3A_0] : memref<1x2048xf32, #tpu.memory_space<vmem>>, vector<1x2048xf32>
    %get3A_2 = arith.constant 0 : index
    %get3A_3 = arith.constant 0 : index
    %get3A_4 = vector.load %arg5[%get3A_2, %get3A_3] : memref<1x2048xf32, #tpu.memory_space<vmem>>, vector<1x2048xf32>
    %eq3A = arith.constant 0 : i32
    %eq3A_5 = arith.cmpi eq, %arg1, %eq3A : i32
    %convert_element_type3A = arith.extui %eq3A_5 : i1 to i32
    %cond3A = arith.constant 0 : i32
    %cond3A_6 = arith.cmpi ne, %convert_element_type3A, %cond3A : i32
    scf.if %cond3A_6 {
      %get3A_54 = arith.constant 0 : index
      %get3A_55 = arith.constant 0 : index
      %get3A_56 = vector.load %arg2[%get3A_54, %get3A_55] : memref<512x1xf32, #tpu.memory_space<vmem>>, vector<512x1xf32>
      %get3A_57 = arith.constant 0 : index
      %get3A_58 = arith.constant 0 : index
      %get3A_59 = vector.load %arg3[%get3A_57, %get3A_58] : memref<512x1xf32, #tpu.memory_space<vmem>>, vector<512x1xf32>
      %ge3A = arith.constant -2.000000e+03 : f32
      %ge3A_60 = vector.broadcast %ge3A : f32 to vector<512x1xf32>
      %ge3A_61 = arith.cmpf oge, %get3A_56, %ge3A_60 : vector<512x1xf32>
      %le3A = arith.constant 2.000000e+03 : f32
      %le3A_62 = vector.broadcast %le3A : f32 to vector<512x1xf32>
      %le3A_63 = arith.cmpf ole, %get3A_56, %le3A_62 : vector<512x1xf32>
      %and3A_64 = arith.andi %ge3A_61, %le3A_63 : vector<512x1xi1>
      %ge3A_65 = arith.constant -2.000000e+03 : f32
      %ge3A_66 = vector.broadcast %ge3A_65 : f32 to vector<512x1xf32>
      %ge3A_67 = arith.cmpf oge, %get3A_59, %ge3A_66 : vector<512x1xf32>
      %and3A_68 = arith.andi %and3A_64, %ge3A_67 : vector<512x1xi1>
      %le3A_69 = arith.constant 2.000000e+03 : f32
      %le3A_70 = vector.broadcast %le3A_69 : f32 to vector<512x1xf32>
      %le3A_71 = arith.cmpf ole, %get3A_59, %le3A_70 : vector<512x1xf32>
      %and3A_72 = arith.andi %and3A_68, %le3A_71 : vector<512x1xi1>
      %jit3A = arith.constant 9.99999984E+17 : f32
      %broadcast_in_dim3A_73 = vector.broadcast %jit3A : f32 to vector<512x1xf32>
      %select_n3A = arith.select %and3A_72, %get3A_56, %broadcast_in_dim3A_73 : vector<512x1xi1>, vector<512x1xf32>
      %swap3A = arith.constant 0 : index
      %swap3A_74 = arith.constant 0 : index
      %swap3A_75 = vector.load %arg11[%swap3A, %swap3A_74] : memref<512x1xf32, #tpu.memory_space<vmem>>, vector<512x1xf32>
      tpu.vector_store %arg11[%swap3A, %swap3A_74], %select_n3A {strides = array<i32>} : memref<512x1xf32, #tpu.memory_space<vmem>>, vector<512x1xf32>,
      %jit3A_76 = arith.constant 9.99999984E+17 : f32
      %broadcast_in_dim3A_77 = vector.broadcast %jit3A_76 : f32 to vector<512x1xf32>
      %select_n3A_78 = arith.select %and3A_72, %get3A_59, %broadcast_in_dim3A_77 : vector<512x1xi1>, vector<512x1xf32>
      %swap3A_79 = arith.constant 0 : index
      %swap3A_80 = arith.constant 0 : index
      %swap3A_81 = vector.load %arg12[%swap3A_79, %swap3A_80] : memref<512x1xf32, #tpu.memory_space<vmem>>, vector<512x1xf32>
      tpu.vector_store %arg12[%swap3A_79, %swap3A_80], %select_n3A_78 {strides = array<i32>} : memref<512x1xf32, #tpu.memory_space<vmem>>, vector<512x1xf32>,
      %convert_element_type3A_82 = arith.extui %and3A_72 : vector<512x1xi1> to vector<512x1xi32>
      %convert_element_type3A_83 = arith.sitofp %convert_element_type3A_82 : vector<512x1xi32> to vector<512x1xf32>
      %swap3A_84 = arith.constant 0 : index
      %swap3A_85 = arith.constant 0 : index
      %swap3A_86 = vector.load %arg7[%swap3A_84, %swap3A_85] : memref<512x1xf32, #tpu.memory_space<vmem>>, vector<512x1xf32>
      tpu.vector_store %arg7[%swap3A_84, %swap3A_85], %convert_element_type3A_83 {strides = array<i32>} : memref<512x1xf32, #tpu.memory_space<vmem>>, vector<512x1xf32>,
    } else {
    }
    %get3A_7 = arith.constant 0 : index
    %get3A_8 = arith.constant 0 : index
    %get3A_9 = vector.load %arg11[%get3A_7, %get3A_8] : memref<512x1xf32, #tpu.memory_space<vmem>>, vector<512x1xf32>
    %get3A_10 = arith.constant 0 : index
    %get3A_11 = arith.constant 0 : index
    %get3A_12 = vector.load %arg12[%get3A_10, %get3A_11] : memref<512x1xf32, #tpu.memory_space<vmem>>, vector<512x1xf32>
    %sub3A = vector.broadcast %get3A_9 : vector<512x1xf32> to vector<512x2048xf32>
    %sub3A_13 = vector.broadcast %get3A_1 : vector<1x2048xf32> to vector<512x2048xf32>
    %sub3A_14 = arith.subf %sub3A, %sub3A_13 : vector<512x2048xf32>
    %sub3A_15 = vector.broadcast %get3A_12 : vector<512x1xf32> to vector<512x2048xf32>
    %sub3A_16 = vector.broadcast %get3A_4 : vector<1x2048xf32> to vector<512x2048xf32>
    %sub3A_17 = arith.subf %sub3A_15, %sub3A_16 : vector<512x2048xf32>
    %mul3A = arith.mulf %sub3A_14, %sub3A_14 : vector<512x2048xf32>
    %mul3A_18 = arith.mulf %sub3A_17, %sub3A_17 : vector<512x2048xf32>
    %add3A = arith.addf %mul3A, %mul3A_18 : vector<512x2048xf32>
    %reduce_min3A = arith.constant dense<0x7F800000> : vector<512xf32>
    %reduce_min3A_19 = vector.multi_reduction <minimumf>, %add3A, %reduce_min3A [1] : vector<512x2048xf32> to vector<512xf32>
    %broadcast_in_dim3A = vector.shape_cast %reduce_min3A_19 : vector<512xf32> to vector<512x1xf32>
    %eq3A_20 = arith.constant 0 : i32
    %eq3A_21 = arith.cmpi eq, %arg1, %eq3A_20 : i32
    %convert_element_type3A_22 = arith.extui %eq3A_21 : i1 to i32
    %cond3A_23 = arith.constant 0 : i32
    %cond3A_24 = arith.cmpi ne, %convert_element_type3A_22, %cond3A_23 : i32
    scf.if %cond3A_24 {
      %swap3A = arith.constant 0 : index
      %swap3A_54 = arith.constant 0 : index
      %swap3A_55 = vector.load %arg9[%swap3A, %swap3A_54] : memref<512x1xf32, #tpu.memory_space<vmem>>, vector<512x1xf32>
      tpu.vector_store %arg9[%swap3A, %swap3A_54], %broadcast_in_dim3A {strides = array<i32>} : memref<512x1xf32, #tpu.memory_space<vmem>>, vector<512x1xf32>,
    } else {
    }
    %ne3A = arith.constant 0 : i32
    %ne3A_25 = arith.cmpi ne, %arg1, %ne3A : i32
    %convert_element_type3A_26 = arith.extui %ne3A_25 : i1 to i32
    %cond3A_27 = arith.constant 0 : i32
    %cond3A_28 = arith.cmpi ne, %convert_element_type3A_26, %cond3A_27 : i32
    scf.if %cond3A_28 {
      %get3A_54 = arith.constant 0 : index
      %get3A_55 = arith.constant 0 : index
      %get3A_56 = vector.load %arg9[%get3A_54, %get3A_55] : memref<512x1xf32, #tpu.memory_space<vmem>>, vector<512x1xf32>
      %min3A = arith.minimumf %get3A_56, %broadcast_in_dim3A : vector<512x1xf32>
      %swap3A = arith.constant 0 : index
      %swap3A_57 = arith.constant 0 : index
      %swap3A_58 = vector.load %arg9[%swap3A, %swap3A_57] : memref<512x1xf32, #tpu.memory_space<vmem>>, vector<512x1xf32>
      tpu.vector_store %arg9[%swap3A, %swap3A_57], %min3A {strides = array<i32>} : memref<512x1xf32, #tpu.memory_space<vmem>>, vector<512x1xf32>,
    } else {
    }
    %reduce_min3A_29 = arith.constant dense<0x7F800000> : vector<2048xf32>
    %reduce_min3A_30 = vector.multi_reduction <minimumf>, %add3A, %reduce_min3A_29 [0] : vector<512x2048xf32> to vector<2048xf32>
    %broadcast_in_dim3A_31 = vector.shape_cast %reduce_min3A_30 : vector<2048xf32> to vector<1x2048xf32>
    %eq3A_32 = arith.constant 0 : i32
    %eq3A_33 = arith.cmpi eq, %arg0, %eq3A_32 : i32
    %convert_element_type3A_34 = arith.extui %eq3A_33 : i1 to i32
    %cond3A_35 = arith.constant 0 : i32
    %cond3A_36 = arith.cmpi ne, %convert_element_type3A_34, %cond3A_35 : i32
    scf.if %cond3A_36 {
      %mul3A_54 = arith.constant 2048 : i32
      %mul3A_55 = arith.muli %arg1, %mul3A_54 : i32
      %swap3A = arith.constant 0 : index
      %swap3A_56 = arith.index_cast %mul3A_55 : i32 to index
      %swap3A_57 = vector.load %arg10[%swap3A, %swap3A_56] : memref<1x8192xf32, #tpu.memory_space<vmem>>, vector<1x2048xf32>
      tpu.vector_store %arg10[%swap3A, %swap3A_56], %broadcast_in_dim3A_31 {strides = array<i32>} : memref<1x8192xf32, #tpu.memory_space<vmem>>, vector<1x2048xf32>,
    } else {
    }
    %ne3A_37 = arith.constant 0 : i32
    %ne3A_38 = arith.cmpi ne, %arg0, %ne3A_37 : i32
    %convert_element_type3A_39 = arith.extui %ne3A_38 : i1 to i32
    %cond3A_40 = arith.constant 0 : i32
    %cond3A_41 = arith.cmpi ne, %convert_element_type3A_39, %cond3A_40 : i32
    scf.if %cond3A_41 {
      %mul3A_54 = arith.constant 2048 : i32
      %mul3A_55 = arith.muli %arg1, %mul3A_54 : i32
      %get3A_56 = arith.constant 0 : index
      %get3A_57 = arith.index_cast %mul3A_55 : i32 to index
      %get3A_58 = vector.load %arg10[%get3A_56, %get3A_57] : memref<1x8192xf32, #tpu.memory_space<vmem>>, vector<1x2048xf32>
      %min3A = arith.minimumf %get3A_58, %broadcast_in_dim3A_31 : vector<1x2048xf32>
      %mul3A_59 = arith.constant 2048 : i32
      %mul3A_60 = arith.muli %arg1, %mul3A_59 : i32
      %swap3A = arith.constant 0 : index
      %swap3A_61 = arith.index_cast %mul3A_60 : i32 to index
      %swap3A_62 = vector.load %arg10[%swap3A, %swap3A_61] : memref<1x8192xf32, #tpu.memory_space<vmem>>, vector<1x2048xf32>
      tpu.vector_store %arg10[%swap3A, %swap3A_61], %min3A {strides = array<i32>} : memref<1x8192xf32, #tpu.memory_space<vmem>>, vector<1x2048xf32>,
    } else {
    }
    %eq3A_42 = arith.constant 3 : i32
    %eq3A_43 = arith.cmpi eq, %arg1, %eq3A_42 : i32
    %convert_element_type3A_44 = arith.extui %eq3A_43 : i1 to i32
    %cond3A_45 = arith.constant 0 : i32
    %cond3A_46 = arith.cmpi ne, %convert_element_type3A_44, %cond3A_45 : i32
    scf.if %cond3A_46 {
      %get3A_54 = arith.constant 0 : index
      %get3A_55 = arith.constant 0 : index
      %get3A_56 = vector.load %arg9[%get3A_54, %get3A_55] : memref<512x1xf32, #tpu.memory_space<vmem>>, vector<512x1xf32>
      %swap3A = arith.constant 0 : index
      %swap3A_57 = arith.constant 0 : index
      %swap3A_58 = vector.load %arg6[%swap3A, %swap3A_57] : memref<512x1xf32, #tpu.memory_space<vmem>>, vector<512x1xf32>
      tpu.vector_store %arg6[%swap3A, %swap3A_57], %get3A_56 {strides = array<i32>} : memref<512x1xf32, #tpu.memory_space<vmem>>, vector<512x1xf32>,
    } else {
    }
    %eq3A_47 = arith.constant 9 : i32
    %eq3A_48 = arith.cmpi eq, %arg0, %eq3A_47 : i32
    %eq3A_49 = arith.constant 3 : i32
    %eq3A_50 = arith.cmpi eq, %arg1, %eq3A_49 : i32
    %and3A = arith.andi %eq3A_48, %eq3A_50 : i1
    %convert_element_type3A_51 = arith.extui %and3A : i1 to i32
    %cond3A_52 = arith.constant 0 : i32
    %cond3A_53 = arith.cmpi ne, %convert_element_type3A_51, %cond3A_52 : i32
    scf.if %cond3A_53 {
      %get3A_54 = arith.constant 0 : index
      %get3A_55 = arith.constant 0 : index
      %get3A_56 = vector.load %arg10[%get3A_54, %get3A_55] : memref<1x8192xf32, #tpu.memory_space<vmem>>, vector<1x8192xf32>
      %swap3A = arith.constant 0 : index
      %swap3A_57 = arith.constant 0 : index
      %swap3A_58 = vector.load %arg8[%swap3A, %swap3A_57] : memref<1x8192xf32, #tpu.memory_space<vmem>>, vector<1x8192xf32>
      tpu.vector_store %arg8[%swap3A, %swap3A_57], %get3A_56 {strides = array<i32>} : memref<1x8192xf32, #tpu.memory_space<vmem>>, vector<1x8192xf32>,
    } else {
    }
    return
  }
  func.func @transform_0(%arg0: i32, %arg1: i32) -> (i32, i32) {
    %c0_i32 = arith.constant 0 : i32
    %c0_i32_0 = arith.constant 0 : i32
    return %arg0, %c0_i32 : i32, i32
  }
  func.func @transform_1(%arg0: i32, %arg1: i32) -> (i32, i32) {
    %c0_i32 = arith.constant 0 : i32
    %c0_i32_0 = arith.constant 0 : i32
    return %arg0, %c0_i32 : i32, i32
  }
  func.func @transform_2(%arg0: i32, %arg1: i32) -> (i32, i32) {
    %c0_i32 = arith.constant 0 : i32
    %c0_i32_0 = arith.constant 0 : i32
    return %c0_i32, %arg1 : i32, i32
  }
  func.func @transform_3(%arg0: i32, %arg1: i32) -> (i32, i32) {
    %c0_i32 = arith.constant 0 : i32
    %c0_i32_0 = arith.constant 0 : i32
    return %c0_i32, %arg1 : i32, i32
  }
  func.func @transform_4(%arg0: i32, %arg1: i32) -> (i32, i32) {
    %c0_i32 = arith.constant 0 : i32
    %c0_i32_0 = arith.constant 0 : i32
    return %arg0, %c0_i32 : i32, i32
  }
  func.func @transform_5(%arg0: i32, %arg1: i32) -> (i32, i32) {
    %c0_i32 = arith.constant 0 : i32
    %c0_i32_0 = arith.constant 0 : i32
    return %arg0, %c0_i32 : i32, i32
  }
  func.func @transform_6(%arg0: i32, %arg1: i32) -> (i32, i32) {
    %c0_i32 = arith.constant 0 : i32
    %c0_i32_0 = arith.constant 0 : i32
    %c0_i32_1 = arith.constant 0 : i32
    return %c0_i32, %c0_i32_0 : i32, i32
  }
}

module attributes {stable_mosaic.version = 14 : i64} {
  func.func @_finalize_body(%arg0: memref<24x128xf32, #tpu.memory_space<vmem>>, %arg1: memref<24x128xf32, #tpu.memory_space<vmem>>, %arg2: memref<40x128xf32, #tpu.memory_space<vmem>>, %arg3: memref<40x128xf32, #tpu.memory_space<vmem>>, %arg4: memref<32x8192xf32, #tpu.memory_space<vmem>>, %arg5: memref<1x8192xf32, #tpu.memory_space<vmem>>, %arg6: memref<1x1xf32, #tpu.memory_space<smem>>) attributes {dimension_semantics = [], scalar_prefetch = 0 : i64, scratch_operands = 0 : i64, tpu.core_type = #tpu.core_type<tc>} {
    %get3A = arith.constant 0 : index
    %get3A_0 = arith.constant 0 : index
    %get3A_1 = vector.load %arg4[%get3A, %get3A_0] : memref<32x8192xf32, #tpu.memory_space<vmem>>, vector<32x8192xf32>
    %reduce_min3A = arith.constant dense<0x7F800000> : vector<8192xf32>
    %reduce_min3A_2 = vector.multi_reduction <minimumf>, %get3A_1, %reduce_min3A [0] : vector<32x8192xf32> to vector<8192xf32>
    %broadcast_in_dim3A = vector.shape_cast %reduce_min3A_2 : vector<8192xf32> to vector<1x8192xf32>
    %get3A_3 = arith.constant 0 : index
    %get3A_4 = arith.constant 0 : index
    %get3A_5 = vector.load %arg5[%get3A_3, %get3A_4] : memref<1x8192xf32, #tpu.memory_space<vmem>>, vector<1x8192xf32>
    %min3A = arith.minimumf %broadcast_in_dim3A, %get3A_5 : vector<1x8192xf32>
    %max3A = arith.constant 0.000000e+00 : f32
    %max3A_6 = vector.broadcast %max3A : f32 to vector<1x8192xf32>
    %max3A_7 = arith.maximumf %min3A, %max3A_6 : vector<1x8192xf32>
    %sqrt3A = math.sqrt %max3A_7 : vector<1x8192xf32>
    %reduce_sum3A = vector.shape_cast %sqrt3A : vector<1x8192xf32> to vector<1x1x8192xf32>
    %reduce_sum3A_8 = arith.constant dense<0.000000e+00> : vector<1xf32>
    %reduce_sum3A_9 = vector.multi_reduction <add>, %reduce_sum3A, %reduce_sum3A_8 [1, 2] : vector<1x1x8192xf32> to vector<1xf32>
    %reduce_sum3A_10 = vector.shape_cast %reduce_sum3A_9 : vector<1xf32> to vector<1x1x1xf32>
    %reduce_sum3A_11 = vector.extract %reduce_sum3A_10[0, 0, 0] : f32 from vector<1x1x1xf32>
    %get3A_12 = arith.constant 0 : index
    %get3A_13 = arith.constant 0 : index
    %get3A_14 = vector.load %arg1[%get3A_12, %get3A_13] : memref<24x128xf32, #tpu.memory_space<vmem>>, vector<24x128xf32>
    %get3A_15 = arith.constant 0 : index
    %get3A_16 = arith.constant 0 : index
    %get3A_17 = vector.load %arg0[%get3A_15, %get3A_16] : memref<24x128xf32, #tpu.memory_space<vmem>>, vector<24x128xf32>
    %max3A_18 = arith.constant 0.000000e+00 : f32
    %max3A_19 = vector.broadcast %max3A_18 : f32 to vector<24x128xf32>
    %max3A_20 = arith.maximumf %get3A_17, %max3A_19 : vector<24x128xf32>
    %sqrt3A_21 = math.sqrt %max3A_20 : vector<24x128xf32>
    %mul3A = arith.mulf %sqrt3A_21, %get3A_14 : vector<24x128xf32>
    %get3A_22 = arith.constant 0 : index
    %get3A_23 = arith.constant 0 : index
    %get3A_24 = vector.load %arg3[%get3A_22, %get3A_23] : memref<40x128xf32, #tpu.memory_space<vmem>>, vector<40x128xf32>
    %get3A_25 = arith.constant 0 : index
    %get3A_26 = arith.constant 0 : index
    %get3A_27 = vector.load %arg2[%get3A_25, %get3A_26] : memref<40x128xf32, #tpu.memory_space<vmem>>, vector<40x128xf32>
    %max3A_28 = arith.constant 0.000000e+00 : f32
    %max3A_29 = vector.broadcast %max3A_28 : f32 to vector<40x128xf32>
    %max3A_30 = arith.maximumf %get3A_27, %max3A_29 : vector<40x128xf32>
    %sqrt3A_31 = math.sqrt %max3A_30 : vector<40x128xf32>
    %mul3A_32 = arith.mulf %sqrt3A_31, %get3A_24 : vector<40x128xf32>
    %reduce_sum3A_33 = vector.shape_cast %mul3A : vector<24x128xf32> to vector<1x24x128xf32>
    %reduce_sum3A_34 = arith.constant dense<0.000000e+00> : vector<1xf32>
    %reduce_sum3A_35 = vector.multi_reduction <add>, %reduce_sum3A_33, %reduce_sum3A_34 [1, 2] : vector<1x24x128xf32> to vector<1xf32>
    %reduce_sum3A_36 = vector.shape_cast %reduce_sum3A_35 : vector<1xf32> to vector<1x1x1xf32>
    %reduce_sum3A_37 = vector.extract %reduce_sum3A_36[0, 0, 0] : f32 from vector<1x1x1xf32>
    %reduce_sum3A_38 = vector.shape_cast %mul3A_32 : vector<40x128xf32> to vector<1x40x128xf32>
    %reduce_sum3A_39 = arith.constant dense<0.000000e+00> : vector<1xf32>
    %reduce_sum3A_40 = vector.multi_reduction <add>, %reduce_sum3A_38, %reduce_sum3A_39 [1, 2] : vector<1x40x128xf32> to vector<1xf32>
    %reduce_sum3A_41 = vector.shape_cast %reduce_sum3A_40 : vector<1xf32> to vector<1x1x1xf32>
    %reduce_sum3A_42 = vector.extract %reduce_sum3A_41[0, 0, 0] : f32 from vector<1x1x1xf32>
    %add3A = arith.addf %reduce_sum3A_37, %reduce_sum3A_42 : f32
    %reduce_sum3A_43 = vector.shape_cast %get3A_14 : vector<24x128xf32> to vector<1x24x128xf32>
    %reduce_sum3A_44 = arith.constant dense<0.000000e+00> : vector<1xf32>
    %reduce_sum3A_45 = vector.multi_reduction <add>, %reduce_sum3A_43, %reduce_sum3A_44 [1, 2] : vector<1x24x128xf32> to vector<1xf32>
    %reduce_sum3A_46 = vector.shape_cast %reduce_sum3A_45 : vector<1xf32> to vector<1x1x1xf32>
    %reduce_sum3A_47 = vector.extract %reduce_sum3A_46[0, 0, 0] : f32 from vector<1x1x1xf32>
    %reduce_sum3A_48 = vector.shape_cast %get3A_24 : vector<40x128xf32> to vector<1x40x128xf32>
    %reduce_sum3A_49 = arith.constant dense<0.000000e+00> : vector<1xf32>
    %reduce_sum3A_50 = vector.multi_reduction <add>, %reduce_sum3A_48, %reduce_sum3A_49 [1, 2] : vector<1x40x128xf32> to vector<1xf32>
    %reduce_sum3A_51 = vector.shape_cast %reduce_sum3A_50 : vector<1xf32> to vector<1x1x1xf32>
    %reduce_sum3A_52 = vector.extract %reduce_sum3A_51[0, 0, 0] : f32 from vector<1x1x1xf32>
    %add3A_53 = arith.addf %reduce_sum3A_47, %reduce_sum3A_52 : f32
    %max3A_54 = arith.constant 1.000000e+00 : f32
    %max3A_55 = arith.maximumf %add3A_53, %max3A_54 : f32
    %div3A = arith.divf %add3A, %max3A_55 : f32
    %div3A_56 = arith.constant 8.192000e+03 : f32
    %div3A_57 = arith.divf %reduce_sum3A_11, %div3A_56 : f32
    %add3A_58 = arith.addf %div3A, %div3A_57 : f32
    %mul3A_59 = arith.constant 5.000000e-01 : f32
    %mul3A_60 = arith.mulf %add3A_58, %mul3A_59 : f32
    %swap3A = arith.constant 0 : index
    %swap3A_61 = arith.constant 0 : index
    %swap3A_62 = memref.load %arg6[%swap3A, %swap3A_61] : memref<1x1xf32, #tpu.memory_space<smem>>
    memref.store %mul3A_60, %arg6[%swap3A, %swap3A_61] : memref<1x1xf32, #tpu.memory_space<smem>>
    return
  }
}

</mosaic_0001>

<sc_bundles>
// kernel: _centerline_loss.5.cloned.1.call-start
scs
__scs_entry_jumppad:
0x0: {  	(pc) =	sbr.rel $0x88, $3  }
0x1: {  	(tag) =	ssettag $0x0;
	lr =	simm.s32 $0x1  }
0x2: {  	[smem:$0x3F9F] =	sst lr;
	_ =	strace $0xD0000000  }
0x3: {  	_ = 	snop  }
0x4: {  	_ = 	snop  }
0x5: {  	_ = 	snop  }
0x6: {  	_ = 	snop  }
0x7: {  	_ = 	snop  }
__scs_overlays_trampoline_lowered:
0x8: {  	[smem:$0x3FAE] =	sst s0  }
0x9: {  	[smem:$0x3FAF] =	sst s1  }
0xa: {  	[smem:$0x3FB0] =	sst s2  }
0xb: {  	[smem:$0x3FB1] =	sst s3  }
0xc: {  	[smem:$0x3FB2] =	sst s4  }
0xd: {  	[smem:$0x3FB3] =	sst s5  }
0xe: {  	[smem:$0x3FB4] =	sst s6  }
0xf: {  	[smem:$0x3FB5] =	sst s7  }
0x10: {  	[smem:$0x3FB6] =	sst s8  }
0x11: {  	[smem:$0x3FB7] =	sst s9;
	s0 =	simm.s32 @!p0 $0x0  }
0x12: {  	s1 =	sld [smem:$0x3F9D];
	s0 =	simm.s32 @p0 $0x1  }
0x13: {  	[smem:$0x3FB8] =	sst s0;
	s0 =	simm.s32 @!p1 $0x0  }
0x14: {  	s2 =	sld [smem:$0x3F9C];
	s0 =	simm.s32 @p1 $0x1  }
0x15: {  	[smem:$0x3FB9] =	sst s0;
	s0 =	simm.s32 @!p2 $0x0  }
0x16: {  	s3 =	sld [smem:$0x3FDB];
	s0 =	simm.s32 @p2 $0x1  }
0x17: {  	s4 =	simm.s32 $0x1BF5;
	[smem:$0x3FBB] =	sst s0  }
0x18: {  	s0 =	sld [smem:$0x3F9E];
	_ =	swait.ge [sflag:s4], $0x0  }
0x19: {  	s7 =	sld [smem:$0x3F9F]  }
0x1a: {  	s8 =	sadd.s32 $0xFFFFE003, lr  }
0x1b: {  	s9 =	sadd.s32 $0xFFFFFEF7, lr;
	s5 =	simm.s32 $0xFFFFFFFF;
	p2 =	slt.u32 s8, $0xFFFFF086  }
0x1c: {  	p1 =	slt.u32 s9, $0xF7A;
	s5 =	simm.s32 @!p2 $0x0  }
0x1d: {  	s5 =	simm.s32 @p1 $0x1;
	p0 =	seq.s32 s7, s2  }
0x1e: {  	s7 =	smul.u32 @!p0 $0xF7A, s2;
	p2 =	seq.s32 @!p0 s5, $0x0  }
0x1f: {  	s9 =	smul.u32 $0xF7A, s1;
	s8 =	simm.s32 @!p0 $0x1BF5;
	p2 =	por !p2, p0  }
0x20: {  	[sflag:s8] =	ssyncset.s32 @!p0 $0xFFFFF086;
	s6 =	sadd.s32 @!p0 s3, s7;
	s7 =	simm.s32 @!p0 $0x108  }
0x21: {  	s3 =	sadd.s32 s3, s9;
	s6 =	sadd.s32 @!p0 $0x88, s6;
	s7 =	simm.s32 @p2 $0x1082  }
0x22: {  	[simem:s7], [sflag:s8] =	dma.local @!p0 [hbm:s6], $0xF7A  }
0x23: {  	s9 =	sor.u32 $0xD0000000, s2;
	s6 =	simm.s32 $0x108;
	_ =	swait.ge @!p0 [sflag:s8], $0x0  }
0x24: {  	s3 =	sadd.s32 $0x88, s3;
	s6 =	simm.s32 @!p1 $0x1082;
	[sflag:s4] =	ssyncset.s32 $0xFFFFF086  }
0x25: {  	[simem:s6], [sflag:s4] =	dma.local [hbm:s3], $0xF7A  }
0x26: {  	[smem:$0x3F9F] =	sst s1;
	(tag) =	ssettag s2;
	_ =	strace s9  }
0x27: {  	s1 =	sld [smem:$0x3FAF]  }
0x28: {  	s2 =	sld [smem:$0x3FB0]  }
0x29: {  	s4 =	sld [smem:$0x3FB2]  }
0x2a: {  	p0 =	seq.s32 s5, $0x0;
	s5 =	sld [smem:$0x3FB3]  }
0x2b: {  	s6 =	sld [smem:$0x3FB4]  }
0x2c: {  	s7 =	sld [smem:$0x3FB5]  }
0x2d: {  	s3 =	simm.s32 $0x108;
	s8 =	sld [smem:$0x3FB6]  }
0x2e: {  	s3 =	simm.s32 @!p0 $0x1082;
	s9 =	sld [smem:$0x3FB7]  }
0x2f: {  	lr =	sadd.s32 s0, s3;
	s0 =	sld [smem:$0x3FAE]  }
0x30: {  	s3 =	sld [smem:$0x3FB1]  }
0x31: {  	[smem:$0x3FBA] =	sst s10  }
0x32: {  	s10 =	sld [smem:$0x3FB8];
	_ =	sdelay $0x3  }
0x33: {  	p0 =	seq.s32 s10, $0x1;
	s10 =	sld [smem:$0x3FBA];
	_ =	sdelay $0x3  }
0x34: {  	[smem:$0x3FBA] =	sst s10  }
0x35: {  	s10 =	sld [smem:$0x3FB9];
	_ =	sdelay $0x3  }
0x36: {  	p1 =	seq.s32 s10, $0x1;
	s10 =	sld [smem:$0x3FBA];
	_ =	sdelay $0x3  }
0x37: {  	[smem:$0x3FBA] =	sst s10  }
0x38: {  	s10 =	sld [smem:$0x3FBB]  }
0x39: {  	_ = 	snop;
	(pc) =	sbr.ind lr, $3  }
0x3a: {  	_ = 	snop  }
0x3b: {  	_ = 	snop  }
0x3c: {  	p2 =	seq.s32 s10, $0x1;
	s10 =	sld [smem:$0x3FBA]  }
0x3d: {  	_ =	shalt  }
0x3e: {  	_ =	shalt  }
0x3f: {  	_ =	shalt  }
0x40: {  	_ =	shalt  }
0x41: {  	_ =	shalt  }
0x42: {  	_ =	shalt  }
0x43: {  	_ =	shalt  }
0x44: {  	_ =	shalt  }
0x45: {  	_ =	shalt  }
0x46: {  	_ =	shalt  }
0x47: {  	_ =	shalt  }
0x48: {  	_ =	shalt  }
0x49: {  	_ =	shalt  }
0x4a: {  	_ =	shalt  }
0x4b: {  	_ =	shalt  }
0x4c: {  	_ =	shalt  }
0x4d: {  	_ =	shalt  }
0x4e: {  	_ =	shalt  }
0x4f: {  	_ =	shalt  }
0x50: {  	_ =	shalt  }
0x51: {  	_ =	shalt  }
0x52: {  	_ =	shalt  }
0x53: {  	_ =	shalt  }
0x54: {  	_ =	shalt  }
0x55: {  	_ =	shalt  }
0x56: {  	_ =	shalt  }
0x57: {  	_ =	shalt  }
0x58: {  	_ =	shalt  }
0x59: {  	_ =	shalt  }
0x5a: {  	_ =	shalt  }
0x5b: {  	_ =	shalt  }
0x5c: {  	_ =	shalt  }
0x5d: {  	_ =	shalt  }
0x5e: {  	_ =	shalt  }
0x5f: {  	_ =	shalt  }
0x60: {  	_ =	shalt  }
0x61: {  	_ =	shalt  }
0x62: {  	_ =	shalt  }
0x63: {  	_ =	shalt  }
0x64: {  	_ =	shalt  }
0x65: {  	_ =	shalt  }
0x66: {  	_ =	shalt  }
0x67: {  	_ =	shalt  }
0x68: {  	_ =	shalt  }
0x69: {  	_ =	shalt  }
0x6a: {  	_ =	shalt  }
0x6b: {  	_ =	shalt  }
0x6c: {  	_ =	shalt  }
0x6d: {  	_ =	shalt  }
0x6e: {  	_ =	shalt  }
0x6f: {  	_ =	shalt  }
0x70: {  	_ =	shalt  }
0x71: {  	_ =	shalt  }
0x72: {  	_ =	shalt  }
0x73: {  	_ =	shalt  }
0x74: {  	_ =	shalt  }
0x75: {  	_ =	shalt  }
0x76: {  	_ =	shalt  }
0x77: {  	_ =	shalt  }
0x78: {  	_ =	shalt  }
0x79: {  	_ =	shalt  }
0x7a: {  	_ =	shalt  }
0x7b: {  	_ =	shalt  }
0x7c: {  	_ =	shalt  }
0x7d: {  	_ =	shalt  }
0x7e: {  	_ =	shalt  }
0x7f: {  	_ =	shalt  }
0x80: {  	_ =	shalt  }
0x81: {  	_ =	shalt  }
0x82: {  	_ =	shalt  }
0x83: {  	_ =	shalt  }
0x84: {  	_ =	shalt  }
0x85: {  	_ =	shalt  }
0x86: {  	_ =	shalt  }
0x87: {  	_ =	shalt  }
.Lfunc_end0:
.L_simem_size_0:
called_computation_lowered:
.L_overlay_start_0:
0x88: {  	s2 =	sld [smem:$0x3FD9]  }
0x89: {  	s3 =	sld [smem:$0x3FFE];
	_ =	sdelay $0x1  }
0x8a: {  	s1 =	srdreg.scid  }
0x8b: {  	s0 =	sand.u32 $0x1, s1  }
0x8c: {  	s16 =	sshll.u32 s0, $0xA;
	s2 =	sadd.s32 s3, s2  }
0x8d: {  	s2 =	sadd.s32 s2, s16  }
0x8e: {  	[smem:$0x3FC6] =	sst s2  }
0x8f: {  	_ = 	snop  }
0x90: {  	(tm) =	ssettm $0x1  }
0x91: {  	s17 =	sld [smem:$0x3FFB];
	_ =	sdelay $0x3  }
0x92: {  	_ =	strace s17  }
0x93: {  	s2 =	sld [smem:$0x3FFC];
	_ =	sdelay $0x3  }
0x94: {  	_ =	strace s2  }
0x95: {  	s2 =	sld [smem:$0x3FFD];
	_ =	sdelay $0x3  }
0x96: {  	_ =	strace s2  }
0x97: {  	_ =	strace $0x8FFFFFFF  }
0x98: {  	s18 =	sld [smem:$0x3FDB];
	_ =	sdelay $0x1  }
0x99: {  	s19 =	simm.s32 $_scs_section_size  }
0x9a: {  	s4 =	simm.s32 $_size__tile_overlayer_lowered;
	s5 =	simm.s32 $_tile_overlayer_lowered  }
0x9b: {  	s22 =	simm.s32 $0x1BFF;
	s21 =	sshll.u32 s5, $0x1;
	s2 =	sadd.s32 s19, s18  }
0x9c: {  	s6 =	simm.s32 $0x0;
	s20 =	sshll.u32 s4, $0x1;
	s4 =	sadd.s32 s21, s2  }
0x9d: {  	[timem:s6], [sflag:s22] =	dma.local [hbm:s4], s20  }
0x9e: {  	_ =	swait.ge [sflag:s22], s20  }
0x9f: {  	s3 =	ssub.s32 $0x0, s20;
	[sflag:s22] =	ssyncset.done $0x0  }
0xa0: {  	[sflag:s22] =	ssyncadd.s32 s3;
	_ =	sdelay $0x1  }
0xa1: {  	s23 =	simm.s32 $0x1B8B  }
0xa2: {  	_ =	swait.ge [sflag:s23], $0x1  }
0xa3: {  	[sflag:s23] =	ssyncset.done $0x0  }
0xa4: {  	s25 =	simm.s32 $0x1B8E;
	s24 =	sld [smem:$0x3FFE];
	[sflag:s23] =	ssyncadd.s32 $0xFFFFFFFF  }
0xa5: {  	s26 =	simm.s32 $execute0_lowered;
	[smem:$0x3FD2] =	sst s25  }
0xa6: {  	s4 =	sshll.u32 s26, $0x1;
	_ =	strace $0x80000046;
	[dreg:$0x1] =	wrdreg $0xFFFFFFFF  }
0xa7: {  	s28 =	simm.s32 $_size_execute0_lowered;
	s2 =	sadd.s32 s2, s4;
	[dreg:$0x0] =	wrdreg $0x0  }
0xa8: {  	s4 =	sshll.u32 s28, $0x1;
	[dreg:$0x2] =	wrdreg s2  }
0xa9: {  	[dreg:$0x3] =	wrdreg s4  }
0xaa: {  	[dreg:$0x4] =	wrdreg $0xC0  }
0xab: {  	_ =	task [dreg:s6], $0x5FFFF  }
0xac: {  	[dreg:$0x1] =	wrdreg $0xFFFFFFFF  }
0xad: {  	[dreg:$0x0] =	wrdreg $0x60  }
0xae: {  	[dreg:$0x2] =	wrdreg s24  }
0xaf: {  	[dreg:$0x3] =	wrdreg $0x9  }
0xb0: {  	_ =	task.clear_ibuf [dreg:s6], $0x4FFFF;
	_ =	strace $0x90000046  }
0xb1: {  	s29 =	simm.s32 $0x9;
	_ =	strace $0x80000048  }
0xb2: {  	_ =	swait.ge [sflag:s29], $0x1  }
0xb3: {  	[sflag:s29] =	ssyncadd.s32 $0xFFFFFFFF  }
0xb4: {  	_ =	strace $0x90000048  }
0xb5: {  	_ =	sfence  }
0xb6: {  	s30 =	sld [smem:$0x0];
	_ =	sdelay $0x2  }
0xb7: {  	s31 =	sshll.u32 s1, $0xD;
	s1 =	sshrl.u32 s1, $0x2  }
0xb8: {  	s3 =	sand.u32 $0x4000, s31;
	s1 =	sadd.s32 s1, s30  }
0xb9: {  	s0 =	sor.u32 s3, s0;
	s1 =	sshll.u32 s1, $0x11  }
0xba: {  	s0 =	sor.u32 s1, s0  }
0xbb: {  	s0 =	sadd.s32 $0x8F2B, s0  }
0xbc: {  	[sflag:s0] =	ssyncadd.remote.s32 $0x1  }
0xbd: {  	_ =	sfence.sel $0xFFFF  }
0xbe: {  	[dreg:$0x0] =	wrdreg $0xFFFFFFFF;
	(pc) =	sbr.abs _section_cstart, $3  }
0xbf: {  	[dreg:$0x1] =	wrdreg $0xFFFFFFFF  }
0xc0: {  	_ =	task.clear_ibuf [dreg:s6], $0x2FFFF;
	_ =	strace $0x9FFFFFFF  }
0xc1: {  	(tm) =	ssettm $0x7FFFFFFF  }
tec
execute0_lowered:
.L_overlay_start_1:
0x0: {  	(tag) =	ssettag $0x1  }
0x1: {  	s5 =	rddreg [dreg:$0x0]  }
0x2: {  	s1 =	srdreg.scid;
	s0 =	rddreg [dreg:$0x1];
	v0 =	vimm.s32 $0xFEDCBA98;
	v1 =	vimm.s32 $0x76543210;
	v2 =	vimm.s32 $0xBA98FEDC  }
0x3: {  	s2 =	simm.s32 $0x0;
	v3 =	vimm.s32 $0x32107654;
	v4 =	vimm.s32 $0xDCFE98BA;
	s12 =	simm.s32 $0x2000;
	s13 =	simm.s32 $0x8000  }
0x4: {  	v5 =	vimm.s32 $0x54761032;
	s14 =	simm.s32 $0x8080;
	s15 =	simm.s32 $0x8100;
	s16 =	simm.s32 $0x8180  }
0x5: {  	v6 =	vimm.s32 $0xEFCDAB89;
	v7 =	vimm.s32 $0x67452301;
	s17 =	simm.s32 $0x80;
	s18 =	simm.s32 $0x400;
	s19 =	simm.s32 $0x6000  }
0x6: {  	s20 =	simm.s32 $0x0;
	s6 =	sand.u32 $0x1, s1;
	s1 =	stileid.u32;
	v0 =	vunpack.c.l.s4.s8 v0;
	v1 =	vunpack.c.l.s4.s8 v1;
	v2 =	vunpack.c.l.s4.s8 v2  }
0x7: {  	[smem:$0x7FF] =	sst s2;
	s4 =	sadd.s32 $0xC00, s5;
	v3 =	vunpack.c.l.s4.s8 v3;
	v4 =	vunpack.c.l.s4.s8 v4;
	v5 =	vunpack.c.l.s4.s8 v5;
	s3 =	sshll.u32 s6, $0x4  }
0x8: {  	v6 =	vunpack.c.l.s4.s8 v6;
	v7 =	vunpack.c.l.s4.s8 v7;
	_ =	strace $0x80000047;
	s9 =	sshll.u32 s1, $0x4;
	s6 =	ssub.s32 $0x2, s6;
	v0 =	vunpack.c.0.s8.s32 v0  }
0x9: {  	s7 =	sor.u32 s1, s3;
	s3 =	sadd.s32 $0x1000, s5;
	s9 =	sand.u32 $0x70, s9;
	v2 =	vunpack.c.0.s8.s32 v2;
	v3 =	vunpack.c.0.s8.s32 v3;
	v4 =	vunpack.c.0.s8.s32 v4  }
0xa: {  	s10 =	sshrl.u32 s6, $0x1;
	v5 =	vunpack.c.0.s8.s32 v5;
	v6 =	vunpack.c.0.s8.s32 v6;
	v7 =	vunpack.c.0.s8.s32 v7;
	s8 =	smul.u32 $0xC, s7;
	s7 =	sshll.u32 s7, $0xA  }
0xb: {  	s9 =	sadd.s32 s9, s5;
	s10 =	ssub.s32 s6, s10;
	s11 =	sand.u32 $0x6000, s7;
	v3 =	vcombine.low v3, v2;
	v2 =	vunpack.c.0.s8.s32 v1  }
0xc: {  	s10 =	smax.u32 s10, $0x1;
	v8 =	vand.u32 $0xF, v0;
	v4 =	vcombine.low v5, v4;
	v5 =	vcombine.low v7, v6;
	s8 =	sadd.s32 s8, s5;
	s9 =	sadd.s32 s11, s9  }
0xd: {  	v1 =	vimm.f32 $3.000000010e+38;
	s11 =	simm.s32 $0x1;
	s5 =	sadd.s32 $0x1400, s8;
	s6 =	sadd.s32 $0x1600, s8;
	v2 =	vcombine.low v8, v2  }
0xe: {  	s7 =	sadd.s32 $0x9800, s8;
	s8 =	sadd.s32 $0x9A00, s8;
	s9 =	sadd.s32 $0x1800, s9;
	v3 =	vand.u32 $0xF, v3;
	v4 =	vand.u32 $0xF, v4;
	v5 =	vand.u32 $0xF, v5  }
.LBB2_1:
0xf: {  	[tilespmem:s2], [sflag:$0x1] =	stream.linear.gather [hbm4b:s3+s2], $0x2000, $0x38;
	[tilespmem:$0x8200] =	vst v63  }
0x10: {  	_ =	swait.ge [sflag:s11], $0x2000  }
0x11: {  	[sflag:s11] =	ssyncset.done $0x0  }
0x12: {  	[sflag:s11] =	ssyncadd.s32 $0xFFFFE000  }
0x13: {  	[tilespmem:s12], [sflag:$0x1] =	stream.linear.gather [hbm4b:s4+s2], $0x2000, $0x38;
	[tilespmem:$0x8200] =	vst v63  }
0x14: {  	_ =	swait.ge [sflag:s11], $0x2000  }
0x15: {  	[sflag:s11] =	ssyncset.done $0x0  }
0x16: {  	[sflag:s11] =	ssyncadd.s32 $0xFFFFE000  }
0x17: {  	[tilespmem:s13], [sflag:$0x1] =	stream.linear.gather [hbm4b:s5+s2], $0x60, $0x38;
	[tilespmem:$0x8200] =	vst v63  }
0x18: {  	_ =	swait.ge [sflag:s11], $0x60  }
0x19: {  	[sflag:s11] =	ssyncset.done $0x0  }
0x1a: {  	[sflag:s11] =	ssyncadd.s32 $0xFFFFFFA0  }
0x1b: {  	[tilespmem:s14], [sflag:$0x1] =	stream.linear.gather [hbm4b:s6+s2], $0x60, $0x38;
	[tilespmem:$0x8200] =	vst v63  }
0x1c: {  	_ =	swait.ge [sflag:s11], $0x60  }
0x1d: {  	[sflag:s11] =	ssyncset.done $0x0  }
0x1e: {  	[sflag:s11] =	ssyncadd.s32 $0xFFFFFFA0  }
0x1f: {  	v6 =	vld [tilespmem:$0x8000]  }
0x20: {  	v7 =	vld [tilespmem:$0x8080];
	_ =	sdelay $0x1  }
0x21: {  	v8 =	vld [tilespmem:$0x8010]  }
0x22: {  	v9 =	vld [tilespmem:$0x8090];
	_ =	sdelay $0x1  }
0x23: {  	v12 =	vld [tilespmem:$0x8020];
	v10 =	vand.u32 $0x7FFFFFFF, v6;
	v11 =	vand.u32 $0x7FFFFFFF, v7  }
0x24: {  	v53 =	vld [tilespmem:$0x80A0];
	vm0 =	vle.f32 v10, $2.000000000e+03;
	vm1 =	vle.f32 v11, $2.000000000e+03  }
0x25: {  	v0 =	vimm.f32 $0.0e+00;
	vm0 =	vmand vm0, vm1  }
0x26: {  	v15 =	vld [tilespmem:$0x8030];
	v13 =	vand.u32 $0x7FFFFFFF, v8;
	v14 =	vand.u32 $0x7FFFFFFF, v9;
	v54 =	vsel vm0, $0x3F800000, v0  }
0x27: {  	v55 =	vld [tilespmem:$0x80B0];
	vm14 =	vle.f32 v13, $2.000000000e+03;
	vm2 =	vle.f32 v14, $2.000000000e+03;
	v6 =	vnsel vm0, $0x5D5E0B6B, v6;
	[tilespmem:$0x8180] =	vst v54  }
0x28: {  	vm15 =	vmand vm14, vm2;
	[tilespmem:$0x8000] =	vst v6;
	v6 =	vnsel vm0, $0x5D5E0B6B, v7  }
0x29: {  	v57 =	vld [tilespmem:$0x8040];
	v56 =	vand.u32 $0x7FFFFFFF, v53;
	v7 =	vand.u32 $0x7FFFFFFF, v12;
	[tilespmem:$0x8080] =	vst v6;
	v6 =	vsel vm15, $0x3F800000, v0  }
0x2a: {  	vm5 =	vle.f32 v56, $2.000000000e+03;
	vm4 =	vle.f32 v7, $2.000000000e+03;
	v7 =	vld [tilespmem:$0x80C0];
	[tilespmem:$0x8190] =	vst v6;
	v6 =	vnsel vm15, $0x5D5E0B6B, v8  }
0x2b: {  	vm6 =	vmand vm4, vm5;
	[tilespmem:$0x8010] =	vst v6;
	v6 =	vnsel vm15, $0x5D5E0B6B, v9  }
0x2c: {  	v59 =	vld [tilespmem:$0x8050];
	v58 =	vand.u32 $0x7FFFFFFF, v55;
	v8 =	vand.u32 $0x7FFFFFFF, v15;
	[tilespmem:$0x8090] =	vst v6;
	v6 =	vsel vm6, $0x3F800000, v0  }
0x2d: {  	vm8 =	vle.f32 v58, $2.000000000e+03;
	vm7 =	vle.f32 v8, $2.000000000e+03;
	v8 =	vld [tilespmem:$0x80D0];
	[tilespmem:$0x81A0] =	vst v6;
	v6 =	vnsel vm6, $0x5D5E0B6B, v12  }
0x2e: {  	vm9 =	vmand vm7, vm8;
	[tilespmem:$0x8020] =	vst v6;
	v6 =	vnsel vm6, $0x5D5E0B6B, v53  }
0x2f: {  	v60 =	vand.u32 $0x7FFFFFFF, v57;
	v61 =	vand.u32 $0x7FFFFFFF, v7;
	[tilespmem:$0x80A0] =	vst v6;
	v6 =	vsel vm9, $0x3F800000, v0  }
0x30: {  	vm10 =	vle.f32 v60, $2.000000000e+03;
	vm11 =	vle.f32 v61, $2.000000000e+03;
	[tilespmem:$0x81B0] =	vst v6;
	v6 =	vnsel vm9, $0x5D5E0B6B, v15  }
0x31: {  	vm12 =	vmand vm10, vm11;
	[tilespmem:$0x8030] =	vst v6;
	v6 =	vnsel vm9, $0x5D5E0B6B, v55  }
0x32: {  	v62 =	vand.u32 $0x7FFFFFFF, v59;
	v63 =	vand.u32 $0x7FFFFFFF, v8;
	v7 =	vnsel vm12, $0x5D5E0B6B, v7;
	[tilespmem:$0x80B0] =	vst v6  }
0x33: {  	vm13 =	vle.f32 v62, $2.000000000e+03;
	vm14 =	vle.f32 v63, $2.000000000e+03;
	v6 =	vsel vm12, $0x3F800000, v0;
	[tilespmem:$0x80C0] =	vst v7  }
0x34: {  	vm15 =	vmand vm13, vm14;
	[tilespmem:$0x81C0] =	vst v6;
	v6 =	vnsel vm12, $0x5D5E0B6B, v57  }
0x35: {  	[tilespmem:$0x8040] =	vst v6;
	v6 =	vsel vm15, $0x3F800000, v0  }
0x36: {  	[tilespmem:$0x81D0] =	vst v6;
	v6 =	vnsel vm15, $0x5D5E0B6B, v59  }
0x37: {  	[tilespmem:$0x8050] =	vst v6;
	v6 =	vnsel vm15, $0x5D5E0B6B, v8  }
0x38: {  	s21 =	simm.s32 $0x0;
	[tilespmem:$0x80D0] =	vst v6  }
0x39: {  	v6 =	vld [tilespmem:s21+$0x0]  }
0x3a: {  	v7 =	vld [tilespmem:s21+$0x2000];
	_ =	sdelay $0x2  }
0x3b: {  	s22 =	simm.s32 $0x40;
	[tilespmem:s21+$0x6000] =	vst v1  }
.LBB2_2:
0x3c: {  	s23 =	sshra.s32 s22, $0x2;
	p0 =	sne.s32 s22, $0x7FC0  }
.Ltmp0:
0x3d: {  	s22 =	sadd.s32 $0x40, s22;
	v8 =	vmul.f32 v6, v6;
	[tilespmem:s23+$0x6000] =	vst v1;
	v6 =	vld [tilespmem:s23+$0x0];
	v9 =	vmul.f32 v7, v7;
	(pc) =	sbr.rel @p0 .LBB2_2-.Ltmp0, $3  }
0x3e: {  	v7 =	vld [tilespmem:s23+$0x2000]  }
0x3f: {  	v8 =	vadd.f32 v9, v8;
	_ =	sdelay $0x1  }
0x40: {  	[tilespmem:s21+$0x4000] =	vst v8;
	s21 =	smov.u32 s23  }
0x41: {  	_ = 	snop  }
0x42: {  	v6 =	vmul.f32 v6, v6;
	v7 =	vmul.f32 v7, v7;
	_ =	sdelay $0x1  }
0x43: {  	v6 =	vadd.f32 v7, v6;
	_ =	sdelay $0x1  }
0x44: {  	[tilespmem:s21+$0x4000] =	vst v6;
	s21 =	simm.s32 $0x0  }
.LBB2_4:
0x45: {  	s22 =	sshll.u32 s21, $0x4  }
0x46: {  	v6 =	vld [tilespmem:s22+$0x8000]  }
0x47: {  	v7 =	vld [tilespmem:s22+$0x8080];
	_ =	sdelay $0x4  }
0x48: {  	v11 =	vmul.f32 $-2.000000000e+00, v6;
	v12 =	vmul.f32 $-2.000000000e+00, v7  }
0x49: {  	s24 =	simm.s32 $0x0;
	v8 =	vmul.f32 v6, v6;
	v9 =	vmul.f32 v7, v7  }
0x4a: {  	v21 =	vld [tilespmem:s24+$0x0];
	v13 =	vbroadcast v11, $0x0;
	v18 =	vbroadcast v12, $0x0  }
0x4b: {  	v15 =	vbroadcast v11, $0x1;
	v19 =	vbroadcast v12, $0x1  }
0x4c: {  	v22 =	vld [tilespmem:s24+$0x4000];
	v10 =	vadd.f32 v9, v8;
	v17 =	vbroadcast v11, $0x2;
	v14 =	vbroadcast v12, $0x2  }
0x4d: {  	v9 =	vld [tilespmem:s24+$0x2000];
	v20 =	vbroadcast v11, $0x3;
	v16 =	vbroadcast v12, $0x3  }
0x4e: {  	v6 =	vbroadcast v10, $0x0;
	v7 =	vbroadcast v10, $0x1  }
0x4f: {  	v25 =	vmul.f32 v21, v13;
	v26 =	vmul.f32 v21, v15  }
0x50: {  	v8 =	vbroadcast v10, $0x2;
	v27 =	vmul.f32 v21, v17  }
0x51: {  	v21 =	vmul.f32 v21, v20;
	v25 =	vadd.f32 v22, v25;
	v26 =	vadd.f32 v22, v26  }
0x52: {  	v27 =	vadd.f32 v22, v27;
	v23 =	vmul.f32 v9, v18;
	v24 =	vmul.f32 v9, v19  }
0x53: {  	s23 =	simm.s32 $0x10;
	v22 =	vadd.f32 v22, v21;
	v28 =	vmul.f32 v9, v14;
	v31 =	vmul.f32 v9, v16  }
0x54: {  	v21 =	vld [tilespmem:s23+$0x2000];
	v9 =	vbroadcast v10, $0x3;
	v30 =	vadd.f32 v25, v23;
	v29 =	vadd.f32 v26, v24  }
0x55: {  	v24 =	vimm.f32 $3.000000010e+38;
	v27 =	vadd.f32 v27, v28;
	v28 =	vadd.f32 v22, v31  }
0x56: {  	s25 =	simm.s32 $0x80;
	v26 =	vld [tilespmem:s23+$0x0];
	v25 =	vimm.f32 $3.000000010e+38;
	v22 =	vimm.f32 $3.000000010e+38;
	v23 =	vimm.f32 $3.000000010e+38  }
.LBB2_5:
0x57: {  	p0 =	sne.s32 s25, $0x7FC0;
	v24 =	vmin.f32 v24, v30;
	v30 =	vadd.f32 v30, v6;
	v31 =	vadd.f32 v29, v7;
	v32 =	vld [tilespmem:s24+$0x6000]  }
0x58: {  	v25 =	vmin.f32 v25, v29;
	v33 =	vld [tilespmem:s23+$0x4000];
	v29 =	vadd.f32 v27, v8;
	v34 =	vadd.f32 v28, v9  }
0x59: {  	v22 =	vmin.f32 v22, v27;
	v23 =	vmin.f32 v23, v28;
	v35 =	vmul.f32 v21, v18  }
0x5a: {  	v27 =	vmul.f32 v21, v19;
	v28 =	vmin.f32 v30, v31;
	v29 =	vmin.f32 v29, v34  }
0x5b: {  	v30 =	vmul.f32 v26, v13;
	v31 =	vmul.f32 v26, v15;
	v28 =	vmin.f32 v28, v29  }
.Ltmp1:
0x5c: {  	v29 =	vmul.f32 v26, v17;
	v26 =	vmul.f32 v26, v20;
	v28 =	vmin.f32 v32, v28;
	(pc) =	sbr.rel @p0 .LBB2_5-.Ltmp1, $4  }
0x5d: {  	v32 =	vmul.f32 v21, v14;
	v30 =	vadd.f32 v33, v30;
	v31 =	vadd.f32 v33, v31;
	[tilespmem:s24+$0x6000] =	vst v28;
	s24 =	smov.u32 s23;
	s23 =	sshra.s32 s25, $0x2  }
0x5e: {  	v34 =	vmul.f32 v21, v16;
	v28 =	vadd.f32 v33, v29;
	v33 =	vadd.f32 v33, v26;
	v21 =	vld [tilespmem:s23+$0x2000]  }
0x5f: {  	v30 =	vadd.f32 v30, v35;
	v29 =	vadd.f32 v31, v27  }
0x60: {  	s25 =	sadd.s32 $0x40, s25;
	v27 =	vadd.f32 v28, v32;
	v28 =	vadd.f32 v33, v34;
	v26 =	vld [tilespmem:s23+$0x0]  }
0x61: {  	v24 =	vmin.f32 v24, v30;
	v30 =	vadd.f32 v30, v6;
	v31 =	vadd.f32 v29, v7  }
0x62: {  	v25 =	vmin.f32 v25, v29;
	v29 =	vadd.f32 v27, v8;
	v33 =	vadd.f32 v28, v9  }
0x63: {  	v32 =	vld [tilespmem:s23+$0x4000];
	v22 =	vmin.f32 v22, v27;
	v18 =	vmul.f32 v21, v18;
	v19 =	vmul.f32 v21, v19  }
0x64: {  	v23 =	vmin.f32 v23, v28;
	v14 =	vmul.f32 v21, v14;
	v16 =	vmul.f32 v21, v16  }
0x65: {  	v28 =	vmin.f32 v30, v31;
	v30 =	vbroadcast v12, $0x4;
	v31 =	vbroadcast v12, $0x5  }
0x66: {  	v29 =	vmin.f32 v29, v33;
	v13 =	vmul.f32 v26, v13;
	v15 =	vmul.f32 v26, v15  }
0x67: {  	v17 =	vmul.f32 v26, v17;
	v20 =	vmul.f32 v26, v20;
	v21 =	vmin.f32 v28, v29  }
0x68: {  	v27 =	vld [tilespmem:s24+$0x6000];
	v29 =	vbroadcast v11, $0x6;
	v13 =	vadd.f32 v32, v13;
	v15 =	vadd.f32 v32, v15  }
0x69: {  	v26 =	vbroadcast v12, $0x6;
	v17 =	vadd.f32 v32, v17;
	v20 =	vadd.f32 v32, v20  }
0x6a: {  	v28 =	vbroadcast v12, $0x7;
	v13 =	vadd.f32 v13, v18;
	v15 =	vadd.f32 v15, v19  }
0x6b: {  	v32 =	vbroadcast v11, $0x7;
	v14 =	vadd.f32 v17, v14;
	v16 =	vadd.f32 v20, v16  }
0x6c: {  	v17 =	vmin.f32 v24, v13;
	v13 =	vadd.f32 v13, v6;
	v19 =	vadd.f32 v15, v7  }
0x6d: {  	v18 =	vmin.f32 v27, v21;
	v20 =	vadd.f32 v14, v8;
	v21 =	vadd.f32 v16, v9  }
0x6e: {  	[tilespmem:s24+$0x6000] =	vst v18;
	v15 =	vmin.f32 v25, v15;
	v14 =	vmin.f32 v22, v14;
	v22 =	vperm.xlane v17, v2  }
0x6f: {  	v16 =	vmin.f32 v23, v16;
	v23 =	vperm.xlane v14, v2;
	v18 =	vmin.f32 v20, v21;
	v21 =	vld [tilespmem:s23+$0x6000]  }
0x70: {  	v13 =	vmin.f32 v13, v19;
	v19 =	vperm.xlane v15, v2;
	v17 =	vmin.f32 v17, v22  }
0x71: {  	v20 =	vperm.xlane v16, v2;
	v22 =	vperm.xlane v17, v3  }
0x72: {  	v14 =	vmin.f32 v14, v23;
	v13 =	vmin.f32 v13, v18;
	v15 =	vmin.f32 v15, v19  }
0x73: {  	v23 =	vperm.xlane v14, v3;
	v19 =	vperm.xlane v15, v3;
	v17 =	vmin.f32 v17, v22  }
0x74: {  	v16 =	vmin.f32 v16, v20;
	v20 =	vperm.xlane v17, v4;
	v13 =	vmin.f32 v21, v13  }
0x75: {  	v27 =	vbroadcast v11, $0x5;
	s24 =	simm.s32 $0x0;
	v18 =	vperm.xlane v16, v3;
	v15 =	vmin.f32 v15, v19;
	[tilespmem:s23+$0x6000] =	vst v13  }
0x76: {  	v14 =	vmin.f32 v14, v23;
	v19 =	vperm.xlane v15, v4;
	v20 =	vmin.f32 v17, v20;
	v24 =	vld [tilespmem:s24+$0x2000]  }
0x77: {  	v23 =	vperm.xlane v14, v4;
	v18 =	vmin.f32 v16, v18;
	v63 =	vld [tilespmem:s24+$0x0];
	v0 =	vperm.xlane v20, v5  }
0x78: {  	v25 =	vbroadcast v11, $0x4;
	v17 =	vperm.xlane v18, v4;
	v22 =	vmin.f32 v15, v19  }
0x79: {  	v13 =	vbroadcast v10, $0x6;
	v16 =	vmin.f32 v14, v23;
	[tilespmem:$0x1FFC0] =	vst v0;
	v0 =	vperm.xlane v22, v5  }
0x7a: {  	v34 =	vld [tilespmem:s24+$0x4000];
	v15 =	vbroadcast v10, $0x4;
	v14 =	vmin.f32 v18, v17;
	v18 =	vbroadcast v10, $0x5  }
0x7b: {  	[tilespmem:$0x1FFD0] =	vst v0;
	v0 =	vperm.xlane v16, v5;
	v35 =	vmul.f32 v24, v30  }
0x7c: {  	v36 =	vmul.f32 v24, v31;
	v37 =	vmul.f32 v63, v25  }
0x7d: {  	v38 =	vmul.f32 v63, v27;
	v39 =	vmul.f32 v63, v29  }
0x7e: {  	v33 =	vmul.f32 v63, v32;
	v40 =	vmul.f32 v24, v26  }
0x7f: {  	v43 =	vmul.f32 v24, v28;
	v37 =	vadd.f32 v34, v37;
	v38 =	vadd.f32 v34, v38  }
0x80: {  	s23 =	simm.s32 $0x10;
	v24 =	vbroadcast v10, $0x7;
	v39 =	vadd.f32 v34, v39;
	v34 =	vadd.f32 v34, v33  }
0x81: {  	[tilespmem:$0x1FFE0] =	vst v0;
	v0 =	vperm.xlane v14, v5;
	v33 =	vld [tilespmem:s23+$0x2000];
	v42 =	vadd.f32 v37, v35;
	v41 =	vadd.f32 v38, v36  }
0x82: {  	v36 =	vimm.f32 $3.000000010e+38;
	v39 =	vadd.f32 v39, v40;
	v40 =	vadd.f32 v34, v43  }
0x83: {  	s25 =	simm.s32 $0x80;
	[tilespmem:$0x1FFF0] =	vst v0;
	v38 =	vld [tilespmem:s23+$0x0];
	v37 =	vimm.f32 $3.000000010e+38;
	v34 =	vimm.f32 $3.000000010e+38;
	v35 =	vimm.f32 $3.000000010e+38  }
.LBB2_7:
0x84: {  	p0 =	sne.s32 s25, $0x7FC0;
	v36 =	vmin.f32 v36, v42;
	v42 =	vadd.f32 v42, v15;
	v43 =	vadd.f32 v41, v18;
	v44 =	vld [tilespmem:s24+$0x6000]  }
0x85: {  	v37 =	vmin.f32 v37, v41;
	v45 =	vld [tilespmem:s23+$0x4000];
	v41 =	vadd.f32 v39, v13;
	v46 =	vadd.f32 v40, v24  }
0x86: {  	v34 =	vmin.f32 v34, v39;
	v35 =	vmin.f32 v35, v40;
	v47 =	vmul.f32 v33, v30  }
0x87: {  	v39 =	vmul.f32 v33, v31;
	v40 =	vmin.f32 v42, v43;
	v41 =	vmin.f32 v41, v46  }
0x88: {  	v42 =	vmul.f32 v38, v25;
	v43 =	vmul.f32 v38, v27;
	v40 =	vmin.f32 v40, v41  }
.Ltmp2:
0x89: {  	v41 =	vmul.f32 v38, v29;
	v38 =	vmul.f32 v38, v32;
	v40 =	vmin.f32 v44, v40;
	(pc) =	sbr.rel @p0 .LBB2_7-.Ltmp2, $4  }
0x8a: {  	v44 =	vmul.f32 v33, v26;
	v42 =	vadd.f32 v45, v42;
	v43 =	vadd.f32 v45, v43;
	[tilespmem:s24+$0x6000] =	vst v40;
	s24 =	smov.u32 s23;
	s23 =	sshra.s32 s25, $0x2  }
0x8b: {  	v46 =	vmul.f32 v33, v28;
	v40 =	vadd.f32 v45, v41;
	v45 =	vadd.f32 v45, v38;
	v33 =	vld [tilespmem:s23+$0x2000]  }
0x8c: {  	v42 =	vadd.f32 v42, v47;
	v41 =	vadd.f32 v43, v39  }
0x8d: {  	s25 =	sadd.s32 $0x40, s25;
	v39 =	vadd.f32 v40, v44;
	v40 =	vadd.f32 v45, v46;
	v38 =	vld [tilespmem:s23+$0x0]  }
0x8e: {  	v36 =	vmin.f32 v36, v42;
	v50 =	vadd.f32 v42, v15;
	v42 =	vbroadcast v12, $0x8  }
0x8f: {  	v51 =	vadd.f32 v39, v13;
	v45 =	vadd.f32 v40, v24;
	v34 =	vmin.f32 v34, v39  }
0x90: {  	v44 =	vld [tilespmem:s23+$0x4000];
	v35 =	vmin.f32 v35, v40;
	v39 =	vbroadcast v11, $0x9;
	v40 =	vbroadcast v12, $0xB  }
0x91: {  	v43 =	vadd.f32 v41, v18;
	v30 =	vmul.f32 v33, v30;
	v31 =	vmul.f32 v33, v31  }
0x92: {  	v37 =	vmin.f32 v37, v41;
	v26 =	vmul.f32 v33, v26;
	v28 =	vmul.f32 v33, v28  }
0x93: {  	v52 =	vld [tilespmem:s24+$0x6000];
	v53 =	vmin.f32 v50, v43;
	v43 =	vbroadcast v12, $0x9;
	v25 =	vmul.f32 v38, v25  }
0x94: {  	v41 =	vmin.f32 v51, v45;
	v27 =	vmul.f32 v38, v27;
	v29 =	vmul.f32 v38, v29  }
0x95: {  	v32 =	vmul.f32 v38, v32;
	v54 =	vmin.f32 v53, v41;
	v25 =	vadd.f32 v44, v25  }
0x96: {  	v41 =	vbroadcast v11, $0xA;
	v27 =	vadd.f32 v44, v27;
	v29 =	vadd.f32 v44, v29  }
0x97: {  	v38 =	vbroadcast v12, $0xA;
	v32 =	vadd.f32 v44, v32;
	v25 =	vadd.f32 v25, v30  }
0x98: {  	v44 =	vbroadcast v11, $0xB;
	v27 =	vadd.f32 v27, v31;
	v30 =	vmin.f32 v52, v54  }
0x99: {  	v26 =	vadd.f32 v29, v26;
	v28 =	vadd.f32 v32, v28;
	v29 =	vmin.f32 v36, v25  }
0x9a: {  	v25 =	vadd.f32 v25, v15;
	v31 =	vadd.f32 v27, v18;
	v27 =	vmin.f32 v37, v27  }
0x9b: {  	[tilespmem:s24+$0x6000] =	vst v30;
	v55 =	vadd.f32 v26, v13;
	v56 =	vadd.f32 v28, v24;
	v26 =	vmin.f32 v34, v26  }
0x9c: {  	v28 =	vmin.f32 v35, v28;
	v60 =	vld [tilespmem:s23+$0x6000];
	v57 =	vperm.xlane v29, v2;
	v58 =	vperm.xlane v26, v2  }
0x9d: {  	v59 =	vperm.xlane v28, v2;
	v25 =	vmin.f32 v25, v31;
	v31 =	vperm.xlane v27, v2  }
0x9e: {  	v30 =	vmin.f32 v55, v56;
	v29 =	vmin.f32 v29, v57;
	v26 =	vmin.f32 v26, v58  }
0x9f: {  	v28 =	vmin.f32 v28, v59;
	v25 =	vmin.f32 v25, v30;
	v34 =	vperm.xlane v29, v3  }
0xa0: {  	v27 =	vmin.f32 v27, v31;
	v35 =	vperm.xlane v26, v3;
	v30 =	vperm.xlane v28, v3  }
0xa1: {  	v37 =	vbroadcast v11, $0x8;
	v31 =	vperm.xlane v27, v3;
	v33 =	vmin.f32 v60, v25  }
0xa2: {  	v29 =	vmin.f32 v29, v34;
	v26 =	vmin.f32 v26, v35;
	v30 =	vmin.f32 v28, v30  }
0xa3: {  	s24 =	simm.s32 $0x0;
	[tilespmem:s23+$0x6000] =	vst v33;
	v61 =	vperm.xlane v29, v4;
	v27 =	vmin.f32 v27, v31;
	v62 =	vperm.xlane v26, v4  }
0xa4: {  	v25 =	vperm.xlane v30, v4;
	v33 =	vld [tilespmem:s24+$0x2000];
	v31 =	vperm.xlane v27, v4  }
0xa5: {  	v63 =	vld [tilespmem:s24+$0x0];
	v32 =	vmin.f32 v29, v61;
	v28 =	vmin.f32 v26, v62;
	v29 =	vbroadcast v10, $0x8  }
0xa6: {  	v25 =	vmin.f32 v30, v25;
	v26 =	vbroadcast v10, $0x9;
	v35 =	vperm.xlane v32, v5  }
0xa7: {  	v46 =	vld [tilespmem:s24+$0x4000];
	v34 =	vmin.f32 v27, v31;
	v31 =	vperm.xlane v28, v5;
	v0 =	vperm.xlane v25, v5  }
0xa8: {  	v27 =	vbroadcast v10, $0xA;
	v36 =	vperm.xlane v34, v5  }
0xa9: {  	v47 =	vmul.f32 v33, v42;
	v48 =	vmul.f32 v33, v43  }
0xaa: {  	v49 =	vmul.f32 v63, v37;
	v50 =	vmul.f32 v63, v39  }
0xab: {  	v51 =	vmul.f32 v63, v41;
	v45 =	vmul.f32 v63, v44  }
0xac: {  	v52 =	vmul.f32 v33, v38;
	v49 =	vadd.f32 v46, v49;
	v50 =	vadd.f32 v46, v50  }
0xad: {  	s23 =	simm.s32 $0x10;
	v55 =	vmul.f32 v33, v40;
	v51 =	vadd.f32 v46, v51;
	v46 =	vadd.f32 v46, v45  }
0xae: {  	v33 =	vbroadcast v10, $0xB;
	v45 =	vld [tilespmem:s23+$0x2000];
	v54 =	vadd.f32 v49, v47;
	v53 =	vadd.f32 v50, v48  }
0xaf: {  	v48 =	vimm.f32 $3.000000010e+38;
	v51 =	vadd.f32 v51, v52;
	v52 =	vadd.f32 v46, v55  }
0xb0: {  	s25 =	simm.s32 $0x80;
	[tilespmem:$0x1FFB0] =	vst v0;
	v50 =	vld [tilespmem:s23+$0x0];
	v49 =	vimm.f32 $3.000000010e+38;
	v46 =	vimm.f32 $3.000000010e+38;
	v47 =	vimm.f32 $3.000000010e+38  }
.LBB2_9:
0xb1: {  	p0 =	sne.s32 s25, $0x7FC0;
	v48 =	vmin.f32 v48, v54;
	v54 =	vadd.f32 v54, v29;
	v55 =	vadd.f32 v53, v26;
	v56 =	vld [tilespmem:s24+$0x6000]  }
0xb2: {  	v49 =	vmin.f32 v49, v53;
	v57 =	vld [tilespmem:s23+$0x4000];
	v53 =	vadd.f32 v51, v27;
	v58 =	vadd.f32 v52, v33  }
0xb3: {  	v46 =	vmin.f32 v46, v51;
	v47 =	vmin.f32 v47, v52;
	v59 =	vmul.f32 v45, v42  }
0xb4: {  	v51 =	vmul.f32 v45, v43;
	v52 =	vmin.f32 v54, v55;
	v53 =	vmin.f32 v53, v58  }
0xb5: {  	v54 =	vmul.f32 v50, v37;
	v55 =	vmul.f32 v50, v39;
	v52 =	vmin.f32 v52, v53  }
.Ltmp3:
0xb6: {  	v53 =	vmul.f32 v50, v41;
	v50 =	vmul.f32 v50, v44;
	v52 =	vmin.f32 v56, v52;
	(pc) =	sbr.rel @p0 .LBB2_9-.Ltmp3, $4  }
0xb7: {  	v56 =	vmul.f32 v45, v38;
	v54 =	vadd.f32 v57, v54;
	v55 =	vadd.f32 v57, v55;
	[tilespmem:s24+$0x6000] =	vst v52;
	s24 =	smov.u32 s23;
	s23 =	sshra.s32 s25, $0x2  }
0xb8: {  	v58 =	vmul.f32 v45, v40;
	v52 =	vadd.f32 v57, v53;
	v57 =	vadd.f32 v57, v50;
	v45 =	vld [tilespmem:s23+$0x2000]  }
0xb9: {  	v54 =	vadd.f32 v54, v59;
	v53 =	vadd.f32 v55, v51  }
0xba: {  	s25 =	sadd.s32 $0x40, s25;
	v51 =	vadd.f32 v52, v56;
	v52 =	vadd.f32 v57, v58;
	v50 =	vld [tilespmem:s23+$0x0]  }
0xbb: {  	v48 =	vmin.f32 v48, v54;
	v63 =	vadd.f32 v54, v29  }
0xbc: {  	v55 =	vadd.f32 v53, v26;
	v56 =	vld [tilespmem:s23+$0x4000];
	v49 =	vmin.f32 v49, v53;
	v60 =	vadd.f32 v51, v27  }
0xbd: {  	v57 =	vadd.f32 v52, v33;
	v42 =	vmul.f32 v45, v42;
	v43 =	vmul.f32 v45, v43  }
0xbe: {  	v61 =	vld [tilespmem:s24+$0x6000];
	v46 =	vmin.f32 v46, v51;
	v38 =	vmul.f32 v45, v38;
	v40 =	vmul.f32 v45, v40  }
0xbf: {  	v47 =	vmin.f32 v47, v52;
	v37 =	vmul.f32 v50, v37;
	v39 =	vmul.f32 v50, v39  }
0xc0: {  	v62 =	vmin.f32 v63, v55;
	v41 =	vmul.f32 v50, v41;
	v44 =	vmul.f32 v50, v44  }
0xc1: {  	v53 =	vmin.f32 v60, v57;
	v37 =	vadd.f32 v56, v37;
	v39 =	vadd.f32 v56, v39  }
0xc2: {  	v63 =	vmin.f32 v62, v53;
	v41 =	vadd.f32 v56, v41;
	v44 =	vadd.f32 v56, v44  }
0xc3: {  	v50 =	vmin.f32 v61, v63;
	v37 =	vadd.f32 v37, v42;
	v39 =	vadd.f32 v39, v43  }
0xc4: {  	[tilespmem:s24+$0x6000] =	vst v50;
	v50 =	vbroadcast v12, $0xD;
	v38 =	vadd.f32 v41, v38;
	v40 =	vadd.f32 v44, v40  }
0xc5: {  	v51 =	vmin.f32 v48, v37;
	v37 =	vadd.f32 v37, v29;
	v43 =	vadd.f32 v39, v26  }
0xc6: {  	v39 =	vmin.f32 v49, v39;
	v52 =	vadd.f32 v38, v27;
	v53 =	vadd.f32 v40, v33  }
0xc7: {  	v38 =	vmin.f32 v46, v38;
	v49 =	vbroadcast v12, $0xC;
	v48 =	vbroadcast v12, $0xE  }
0xc8: {  	v40 =	vmin.f32 v47, v40;
	v54 =	vperm.xlane v51, v2;
	v55 =	vperm.xlane v39, v2  }
0xc9: {  	v56 =	vperm.xlane v38, v2;
	v58 =	vperm.xlane v40, v2;
	v37 =	vmin.f32 v37, v43  }
0xca: {  	v59 =	vld [tilespmem:s23+$0x6000];
	v57 =	vmin.f32 v52, v53;
	v52 =	vbroadcast v11, $0xE;
	v53 =	vbroadcast v11, $0xF  }
0xcb: {  	v41 =	vmin.f32 v51, v54;
	v39 =	vmin.f32 v39, v55;
	v51 =	vbroadcast v11, $0xC  }
0xcc: {  	v38 =	vmin.f32 v38, v56;
	v54 =	vbroadcast v11, $0xD;
	v11 =	vbroadcast v12, $0xF  }
0xcd: {  	v40 =	vmin.f32 v40, v58;
	v46 =	vperm.xlane v41, v3;
	v43 =	vperm.xlane v39, v3  }
0xce: {  	v37 =	vmin.f32 v37, v57;
	v47 =	vperm.xlane v38, v3;
	v60 =	vperm.xlane v40, v3  }
0xcf: {  	v37 =	vmin.f32 v59, v37;
	v41 =	vmin.f32 v41, v46;
	v39 =	vmin.f32 v39, v43  }
0xd0: {  	[tilespmem:s23+$0x6000] =	vst v37;
	s23 =	simm.s32 $0x0;
	v38 =	vmin.f32 v38, v47;
	v61 =	vperm.xlane v41, v4;
	v43 =	vperm.xlane v39, v4  }
0xd1: {  	v37 =	vbroadcast v10, $0xD;
	v40 =	vmin.f32 v40, v60;
	v55 =	vld [tilespmem:s23+$0x2000];
	v62 =	vperm.xlane v38, v4  }
0xd2: {  	v56 =	vld [tilespmem:s23+$0x0];
	v63 =	vperm.xlane v40, v4;
	v46 =	vmin.f32 v41, v61;
	v44 =	vmin.f32 v39, v43  }
0xd3: {  	v42 =	vmin.f32 v38, v62;
	v39 =	vbroadcast v10, $0xC;
	v38 =	vbroadcast v10, $0xE  }
0xd4: {  	v57 =	vld [tilespmem:s23+$0x4000];
	v10 =	vbroadcast v10, $0xF;
	v47 =	vperm.xlane v46, v5  }
0xd5: {  	v45 =	vperm.xlane v44, v5;
	v43 =	vperm.xlane v42, v5  }
0xd6: {  	v12 =	vmul.f32 v55, v49;
	v58 =	vmul.f32 v55, v50  }
0xd7: {  	v59 =	vmul.f32 v56, v51;
	v60 =	vmul.f32 v56, v54  }
0xd8: {  	v40 =	vmin.f32 v40, v63;
	v61 =	vmul.f32 v56, v52;
	v56 =	vmul.f32 v56, v53  }
0xd9: {  	v0 =	vmul.f32 v55, v48;
	v59 =	vadd.f32 v57, v59;
	v60 =	vadd.f32 v57, v60  }
0xda: {  	s24 =	simm.s32 $0x10;
	v55 =	vmul.f32 v55, v11;
	v61 =	vadd.f32 v57, v61;
	v57 =	vadd.f32 v57, v56  }
0xdb: {  	v41 =	vperm.xlane v40, v5;
	v63 =	vadd.f32 v59, v12;
	v62 =	vadd.f32 v60, v58;
	v12 =	vld [tilespmem:s24+$0x2000]  }
0xdc: {  	v56 =	vimm.f32 $3.000000010e+38;
	v61 =	vadd.f32 v61, v0;
	v60 =	vadd.f32 v57, v55  }
0xdd: {  	s25 =	simm.s32 $0x80;
	v59 =	vld [tilespmem:s24+$0x0];
	v58 =	vimm.f32 $3.000000010e+38;
	v57 =	vimm.f32 $3.000000010e+38;
	v55 =	vimm.f32 $3.000000010e+38  }
.LBB2_11:
0xde: {  	p0 =	sne.s32 s25, $0x7FC0;
	v56 =	vmin.f32 v56, v63;
	v0 =	vadd.f32 v63, v39;
	v63 =	vadd.f32 v62, v37;
	v17 =	vld [tilespmem:s23+$0x6000]  }
0xdf: {  	v58 =	vmin.f32 v58, v62;
	v19 =	vld [tilespmem:s24+$0x4000];
	v62 =	vadd.f32 v61, v38;
	v21 =	vadd.f32 v60, v10  }
0xe0: {  	v57 =	vmin.f32 v57, v61;
	v55 =	vmin.f32 v55, v60;
	v23 =	vmul.f32 v12, v49  }
0xe1: {  	v60 =	vmul.f32 v12, v50;
	v0 =	vmin.f32 v0, v63;
	v21 =	vmin.f32 v62, v21  }
0xe2: {  	v61 =	vmul.f32 v59, v51;
	v62 =	vmul.f32 v59, v54;
	v0 =	vmin.f32 v0, v21  }
.Ltmp4:
0xe3: {  	v21 =	vmul.f32 v59, v52;
	v59 =	vmul.f32 v59, v53;
	v0 =	vmin.f32 v17, v0;
	(pc) =	sbr.rel @p0 .LBB2_11-.Ltmp4, $4  }
0xe4: {  	v30 =	vmul.f32 v12, v48;
	v17 =	vadd.f32 v19, v61;
	v61 =	vadd.f32 v19, v62;
	[tilespmem:s23+$0x6000] =	vst v0;
	s23 =	smov.u32 s24;
	s24 =	sshra.s32 s25, $0x2  }
0xe5: {  	v0 =	vadd.f32 v19, v21;
	v19 =	vadd.f32 v19, v59;
	v21 =	vmul.f32 v12, v11;
	v12 =	vld [tilespmem:s24+$0x2000]  }
0xe6: {  	v63 =	vadd.f32 v17, v23;
	v62 =	vadd.f32 v61, v60  }
0xe7: {  	s25 =	sadd.s32 $0x40, s25;
	v61 =	vadd.f32 v0, v30;
	v60 =	vadd.f32 v19, v21;
	v59 =	vld [tilespmem:s24+$0x0]  }
0xe8: {  	_ =	sdelay $0x1  }
0xe9: {  	v17 =	vmin.f32 v56, v63;
	v19 =	vadd.f32 v63, v39;
	v21 =	vadd.f32 v62, v37  }
0xea: {  	v0 =	vld [tilespmem:s24+$0x4000];
	v23 =	vmin.f32 v58, v62;
	vm0 =	vmmov $0x1;
	v63 =	vadd.f32 v60, v10  }
0xeb: {  	v55 =	vmin.f32 v55, v60;
	v60 =	vld [tilespmem:$0x1FFD0];
	v51 =	vmul.f32 v59, v51;
	v54 =	vmul.f32 v59, v54  }
0xec: {  	vm14 =	vmmov $0x3;
	v52 =	vmul.f32 v59, v52;
	v62 =	vmul.f32 v59, v53;
	v59 =	vld [tilespmem:$0x1FFC0]  }
0xed: {  	vm15 =	vmmov $0x7;
	vm4 =	vmmov $0xf;
	vm5 =	vmmov $0x1f  }
0xee: {  	vm6 =	vmmov $0x3f;
	vm7 =	vmmov $0x7f;
	v30 =	vadd.f32 v61, v38  }
0xef: {  	vm8 =	vmmov $0xff;
	vm9 =	vmmov $0x1ff;
	vm10 =	vmmov $0x3ff  }
0xf0: {  	v56 =	vmin.f32 v57, v61;
	v48 =	vmul.f32 v12, v48;
	v30 =	vmin.f32 v30, v63  }
0xf1: {  	v63 =	vadd.f32 v0, v52;
	v22 =	vmin.f32 v22, v60;
	v20 =	vmin.f32 v20, v59  }
0xf2: {  	v61 =	vld [tilespmem:s23+$0x6000];
	v19 =	vmin.f32 v19, v21;
	v7 =	vadd.f32 v22, v7;
	v6 =	vadd.f32 v20, v6  }
0xf3: {  	v11 =	vmul.f32 v12, v11;
	v51 =	vadd.f32 v0, v51;
	v21 =	vadd.f32 v63, v48;
	v63 =	vld [tilespmem:$0x1FFE0]  }
0xf4: {  	v54 =	vadd.f32 v0, v54;
	v0 =	vadd.f32 v0, v62;
	v6 =	vsel vm0, v6, v7;
	v7 =	vld [tilespmem:$0x1FFF0]  }
0xf5: {  	vm11 =	vmmov $0x7ff;
	vm12 =	vmmov $0xfff;
	v49 =	vmul.f32 v12, v49  }
0xf6: {  	v50 =	vmul.f32 v12, v50;
	v52 =	vmin.f32 v19, v30;
	v0 =	vadd.f32 v0, v11  }
0xf7: {  	v12 =	vmin.f32 v61, v52;
	v61 =	vmin.f32 v56, v21;
	v21 =	vadd.f32 v21, v38  }
0xf8: {  	v62 =	vmin.f32 v55, v0;
	v0 =	vadd.f32 v0, v10;
	v16 =	vmin.f32 v16, v63  }
0xf9: {  	v22 =	vmin.f32 v34, v36;
	v34 =	vld [tilespmem:$0x1FFB0];
	v8 =	vadd.f32 v16, v8;
	v7 =	vmin.f32 v14, v7  }
0xfa: {  	v0 =	vmin.f32 v21, v0;
	v21 =	vmin.f32 v32, v35;
	v7 =	vadd.f32 v7, v9  }
0xfb: {  	v36 =	vmin.f32 v44, v45;
	v6 =	vsel vm14, v6, v8;
	v8 =	vadd.f32 v21, v15  }
0xfc: {  	v44 =	vmin.f32 v42, v43;
	v6 =	vsel vm15, v6, v7;
	v7 =	vadd.f32 v22, v18  }
0xfd: {  	v49 =	vadd.f32 v51, v49;
	v32 =	vmin.f32 v28, v31;
	v6 =	vsel vm4, v6, v8  }
0xfe: {  	v8 =	vmin.f32 v25, v34;
	v6 =	vsel vm5, v6, v7;
	v7 =	vadd.f32 v32, v13  }
0xff: {  	v50 =	vadd.f32 v54, v50;
	v35 =	vmin.f32 v46, v47;
	v8 =	vadd.f32 v8, v24  }
0x100: {  	v53 =	vadd.f32 v49, v39;
	v6 =	vsel vm6, v6, v7;
	v7 =	vadd.f32 v35, v29  }
0x101: {  	v57 =	vmin.f32 v17, v49;
	v58 =	vmin.f32 v23, v50;
	v6 =	vsel vm7, v6, v8  }
0x102: {  	v45 =	vperm.xlane v57, v2;
	v6 =	vsel vm8, v6, v7;
	v7 =	vadd.f32 v36, v26  }
0x103: {  	v54 =	vadd.f32 v50, v37;
	v48 =	vperm.xlane v61, v2;
	v46 =	vperm.xlane v58, v2  }
0x104: {  	v8 =	vadd.f32 v44, v27;
	v6 =	vsel vm9, v6, v7;
	v7 =	vmin.f32 v57, v45  }
0x105: {  	v49 =	vperm.xlane v62, v2;
	v19 =	vmin.f32 v53, v54;
	v11 =	vperm.xlane v7, v3  }
0x106: {  	v13 =	vmin.f32 v61, v48;
	v6 =	vsel vm10, v6, v8;
	v8 =	vmin.f32 v58, v46  }
0x107: {  	v52 =	vperm.xlane v13, v3;
	v50 =	vperm.xlane v8, v3;
	v7 =	vmin.f32 v7, v11  }
0x108: {  	v47 =	vmin.f32 v40, v41;
	v14 =	vmin.f32 v62, v49;
	v51 =	vperm.xlane v7, v4  }
0x109: {  	v53 =	vperm.xlane v14, v3;
	v13 =	vmin.f32 v13, v52;
	v8 =	vmin.f32 v8, v50  }
0x10a: {  	v56 =	vperm.xlane v13, v4;
	v54 =	vperm.xlane v8, v4;
	v7 =	vmin.f32 v7, v51  }
0x10b: {  	v9 =	vadd.f32 v47, v33;
	v11 =	vmin.f32 v14, v53;
	v55 =	vperm.xlane v7, v5  }
0x10c: {  	v58 =	vmin.f32 v13, v56;
	v57 =	vperm.xlane v11, v4;
	v8 =	vmin.f32 v8, v54  }
0x10d: {  	[tilespmem:s23+$0x6000] =	vst v12;
	v6 =	vsel vm11, v6, v9;
	v59 =	vperm.xlane v8, v5;
	v7 =	vmin.f32 v7, v55  }
0x10e: {  	v60 =	vld [tilespmem:s24+$0x6000];
	v61 =	vperm.xlane v58, v5;
	v9 =	vmin.f32 v11, v57;
	v7 =	vadd.f32 v7, v39  }
0x10f: {  	vm13 =	vmmov $0x1fff;
	s21 =	sadd.s32 $0x1, s21;
	v62 =	vperm.xlane v9, v5;
	v8 =	vmin.f32 v8, v59  }
0x110: {  	p0 =	sne.s32 s21, $0x6;
	v63 =	vmin.f32 v58, v61;
	v6 =	vsel vm12, v6, v7;
	v7 =	vadd.f32 v8, v37  }
.Ltmp5:
0x111: {  	v0 =	vmin.f32 v19, v0;
	v9 =	vmin.f32 v9, v62;
	v8 =	vadd.f32 v63, v38;
	(pc) =	sbr.rel @p0 .LBB2_4-.Ltmp5, $4  }
0x112: {  	vm14 =	vmmov $0x3fff;
	v6 =	vsel vm13, v6, v7;
	v7 =	vadd.f32 v9, v10  }
0x113: {  	v0 =	vmin.f32 v60, v0;
	vm15 =	vmmov $0x7fff;
	v6 =	vsel vm14, v6, v8  }
0x114: {  	[tilespmem:s24+$0x6000] =	vst v0;
	v0 =	vsel vm15, v6, v7  }
0x115: {  	[tilespmem:s22+$0x8100] =	vst v0  }
0x116: {  	[hbm4b:s7+s2] =	stream.linear.scatter [tilespmem:s15], [sflag:$0x1], $0x60, $0x38;
	[tilespmem:$0x8200] =	vst v63  }
0x117: {  	_ =	swait.ge [sflag:s11], $0x60  }
0x118: {  	[sflag:s11] =	ssyncset.done $0x0  }
0x119: {  	[sflag:s11] =	ssyncadd.s32 $0xFFFFFFA0  }
0x11a: {  	[hbm4b:s8+s2] =	stream.linear.scatter [tilespmem:s16], [sflag:$0x1], $0x60, $0x38;
	[tilespmem:$0x8200] =	vst v63  }
0x11b: {  	s20 =	sadd.s32 $0x1, s20;
	_ =	swait.ge [sflag:s11], $0x60  }
0x11c: {  	p0 =	sne.s32 s20, s10;
	[sflag:s11] =	ssyncset.done $0x0  }
.Ltmp6:
0x11d: {  	[sflag:s11] =	ssyncadd.s32 $0xFFFFFFA0;
	(pc) =	sbr.rel @p0 .LBB2_1-.Ltmp6, $4  }
0x11e: {  	[hbm4b:s9+s17] =	stream.strided.scatter [tilespmem:s19], [sflag:$0x1], $0x2000, s18, s17, $0x38;
	[tilespmem:$0x8200] =	vst v63  }
0x11f: {  	_ =	swait.ge [sflag:s11], $0x2000  }
0x120: {  	[sflag:s11] =	ssyncset.done $0x0  }
0x121: {  	[sflag:s11] =	ssyncadd.s32 $0xFFFFE000  }
0x122: {  	_ =	sfence.sel $0x180000  }
0x123: {  	[bflag:$0x0] =	sbarrier.arrive $0xFFFF  }
0x124: {  	p0 =	sne.s32 s1, $0x0;
	_ =	strace $0x90000047  }
0x125: {  	s0 =	sadd.s32 @!p0 $0x100000, s0;
	[bflag:$0x2] =	sbarrier.arrive $0xFFFF  }
0x126: {  	[sflag:s0] =	ssyncadd.tile.s32 @!p0 $0x1;
	_ =	shalt  }
.Lfunc_end2:
_tile_overlayer_lowered:
.L_overlay_start_2:
0x127: {  	(tag) =	ssettag $0x2  }
0x128: {  	s0 =	rddreg [dreg:$0x0];
	s2 =	stileid.u32  }
0x129: {  	s1 =	rddreg [dreg:$0x1];
	p0 =	sne.s32 s2, $0x0  }
0x12a: {  	s3 =	rddreg [dreg:$0x2];
	[bflag:$0x3] =	sbarrier.arrive $0xFFFF;
	s2 =	simm.s32 @!p0 $0x1C01  }
0x12b: {  	[timem:s3], [sflag:s2] =	dma.local @!p0 [hbm:s0], s1  }
0x12c: {  	s0 =	simm.s32 @!p0 $0x1  }
0x12d: {  	_ =	swait.ge @!p0 [sflag:s0], s1  }
0x12e: {  	s1 =	ssub.s32 @!p0 $0x0, s1;
	[sflag:s0] =	ssyncset.done @!p0 $0x0  }
0x12f: {  	[sflag:s0] =	ssyncadd.s32 @!p0 s1  }
0x130: {  	[bflag:$0x3] =	sbarrier.arrive $0xFFFF  }
0x131: {  	_ =	shalt  }

</sc_bundles>
